<compile_context>
chip_gen: v7x
topology: tpu7x:2x2x1
jax: 0.10.2.dev20260603
libtpu: 0.0.44.dev20260713+nightly
codegen_flags: <defaults>
</compile_context>

<pallas_src>
import functools

import numpy as np
import jax
import jax.numpy as jnp
from jax import lax
from jax.experimental import pallas as pl
from jax.experimental.pallas import tpu as pltpu
from jax.experimental.pallas import tpu_sc as plsc

_DEEP = 256
_TYPE = 10
_PARAM = 12
_F = _DEEP + _TYPE + _PARAM

_api_lists = [[0], [0, 1], [1, 2], [3], [4, 5], [6], [7, 8], [9], [10], [11]]
_API_NP = np.zeros((_TYPE, _PARAM), dtype=np.float32)
for _t, _lst in enumerate(_api_lists):
    for _p in _lst:
        _API_NP[_t, _p] = 1.0

_TC_B = 0
_ROWS = 2048
_BB = 1
_BB2 = 4

_NW = 32
_CH = 64



def _tc_body(x_ref, t_ref, api_ref, o_ref):
    i = pl.program_id(0)
    j = pl.program_id(1)
    x = x_ref[...].reshape(_BB * _ROWS, _F)
    t = t_ref[...].reshape(_BB * _ROWS, _F)

    pad = t[:, _DEEP:_DEEP + 1] == -1.0
    validf = jnp.where(pad, 0.0, 1.0)[:, 0]

    xs = x[:, :_DEEP]
    ts = t[:, :_DEEP]
    ds = jnp.where(pad, -100.0 - ts, xs - ts)
    s_svg = jnp.sum(ds * ds)

    xt = x[:, _DEEP:_DEEP + _TYPE]
    tt = t[:, _DEEP:_DEEP + _TYPE]
    m = jnp.max(xt, axis=1, keepdims=True)
    lse = m[:, 0] + jnp.log(jnp.sum(jnp.exp(xt - m), axis=1))
    picked = jnp.sum(xt * tt, axis=1)
    s_type = jnp.sum((lse - picked) * validf)
    cnt = jnp.sum(validf)

    xp = x[:, _DEEP + _TYPE:]
    tp = t[:, _DEEP + _TYPE:]
    copy = lax.dot(tt, api_ref[...], preferred_element_type=jnp.float32) > 0.5
    dp = jnp.where(pad, -100.0 - tp, jnp.where(copy, 0.0, xp - tp))
    s_param = jnp.sum(dp * dp)

    @pl.when((i == 0) & (j == 0))
    def _init():
        o_ref[0] = 0.0
        o_ref[1] = 0.0
        o_ref[2] = 0.0
        o_ref[3] = 0.0

    o_ref[0] += s_svg
    o_ref[1] += s_type
    o_ref[2] += cnt
    o_ref[3] += s_param


def _tc_sums(input, target, nb):
    return pl.pallas_call(
        _tc_body,
        grid=(nb // _BB, input.shape[1] // _ROWS),
        in_specs=[
            pl.BlockSpec((_BB, _ROWS, _F), lambda i, j: (i, j, 0)),
            pl.BlockSpec((_BB, _ROWS, _F), lambda i, j: (i, j, 0)),
            pl.BlockSpec((_TYPE, _PARAM), lambda i, j: (0, 0)),
        ],
        out_specs=pl.BlockSpec(memory_space=pltpu.SMEM),
        out_shape=jax.ShapeDtypeStruct((4,), jnp.float32),
    )(input, target, jnp.asarray(_API_NP))



def _corr_body(x_ref, t_ref, api_ref, o_ref):
    i = pl.program_id(0)
    x = x_ref[...].reshape(_BB2 * _ROWS, 128)
    t = t_ref[...].reshape(_BB2 * _ROWS, 128)

    pad = t[:, 0:1] == -1.0
    validf = jnp.where(pad, 0.0, 1.0)[:, 0]

    xt = x[:, :_TYPE]
    tt = t[:, :_TYPE]
    m = jnp.max(xt, axis=1, keepdims=True)
    lse = m[:, 0] + jnp.log(jnp.sum(jnp.exp(xt - m), axis=1))
    picked = jnp.sum(xt * tt, axis=1)
    s_type = jnp.sum((lse - picked) * validf)
    cnt = jnp.sum(validf)

    xp = x[:, _TYPE:_TYPE + _PARAM]
    tp = t[:, _TYPE:_TYPE + _PARAM]
    copy = lax.dot(tt, api_ref[...], preferred_element_type=jnp.float32) > 0.5
    dp = jnp.where(pad, -100.0 - tp, jnp.where(copy, 0.0, xp - tp))
    s_param = jnp.sum(dp * dp)

    @pl.when(i == 0)
    def _init():
        o_ref[0] = 0.0
        o_ref[1] = 0.0
        o_ref[2] = 0.0

    o_ref[0] += s_type
    o_ref[1] += cnt
    o_ref[2] += s_param


def _corr_sums(input, target, b0, nb):
    i0 = b0 // _BB2
    return pl.pallas_call(
        _corr_body,
        grid=(nb // _BB2,),
        in_specs=[
            pl.BlockSpec((_BB2, _ROWS, 128), lambda i: (i0 + i, 0, 2)),
            pl.BlockSpec((_BB2, _ROWS, 128), lambda i: (i0 + i, 0, 2)),
            pl.BlockSpec((_TYPE, _PARAM), lambda i: (0, 0)),
        ],
        out_specs=pl.BlockSpec(memory_space=pltpu.SMEM),
        out_shape=jax.ShapeDtypeStruct((3,), jnp.float32),
    )(input, target, jnp.asarray(_API_NP))



def _sc_make(b0, nb):
    mesh = plsc.VectorSubcoreMesh(core_axis_name="c", subcore_axis_name="s",
                                  num_cores=2, num_subcores=16)

    @functools.partial(
        pl.kernel,
        out_type=jax.ShapeDtypeStruct((_NW, 16), jnp.float32),
        mesh=mesh,
        compiler_params=pltpu.CompilerParams(use_tc_tiling_on_sc=True),
        scratch_types=[
            pltpu.VMEM((2, _CH, _DEEP), jnp.float32),
            pltpu.VMEM((2, _CH, _DEEP), jnp.float32),
            pltpu.VMEM((2, 128), jnp.float32),
            pltpu.VMEM((16,), jnp.float32),
            pltpu.SemaphoreType.DMA,
            pltpu.SemaphoreType.DMA,
            pltpu.SemaphoreType.DMA,
            pltpu.SemaphoreType.DMA,
            pltpu.SemaphoreType.DMA,
            pltpu.SemaphoreType.DMA,
        ],
    )
    def run(x_hbm, t_hbm, m_hbm, o_hbm, xb, tb, mb, ostage,
            sx0, sx1, st0, st1, sm0, sm1):
        cid = lax.axis_index("c")
        sid = lax.axis_index("s")
        wid = sid * 2 + cid
        r0 = wid * _CH
        sx = (sx0, sx1)
        st = (st0, st1)
        sm = (sm0, sm1)
        iota = lax.iota(jnp.int32, 16)

        def issue(k, p):
            pltpu.async_copy(x_hbm.at[b0 + k, pl.ds(r0, _CH), pl.ds(0, _DEEP)],
                             xb.at[p], sx[p])
            pltpu.async_copy(t_hbm.at[b0 + k, pl.ds(r0, _CH), pl.ds(0, _DEEP)],
                             tb.at[p], st[p])
            pltpu.async_copy(m_hbm.at[b0 + k, wid, :],
                             mb.at[p], sm[p])

        def wait(k, p):
            pltpu.make_async_copy(
                x_hbm.at[b0 + k, pl.ds(r0, _CH), pl.ds(0, _DEEP)],
                xb.at[p], sx[p]).wait()
            pltpu.make_async_copy(
                t_hbm.at[b0 + k, pl.ds(r0, _CH), pl.ds(0, _DEEP)],
                tb.at[p], st[p]).wait()
            pltpu.make_async_copy(
                m_hbm.at[b0 + k, wid, :],
                mb.at[p], sm[p]).wait()

        def process(p, acc):
            xc = xb.at[p]
            tc_ = tb.at[p]
            mc = mb.at[p]

            def svg_row(r, a):
                padr = mc[pl.ds(r, 16)][0] == 1.0
                for kk in range(_DEEP // 16):
                    xk = xc[r, pl.ds(16 * kk, 16)]
                    tk = tc_[r, pl.ds(16 * kk, 16)]
                    d = jnp.where(padr, 100.0 + tk, xk - tk)
                    a = a + d * d
                return a

            return lax.fori_loop(0, _CH, svg_row, acc)

        zero = iota.astype(jnp.float32) * 0.0
        issue(0, 0)
        issue(1, 1)

        def outer(kk, acc):
            k0 = 2 * kk
            wait(k0, 0)
            acc = process(0, acc)

            @pl.when(k0 + 2 < nb)
            def _():
                issue(k0 + 2, 0)

            wait(k0 + 1, 1)
            acc = process(1, acc)

            @pl.when(k0 + 3 < nb)
            def _():
                issue(k0 + 3, 1)

            return acc

        acc = lax.fori_loop(0, nb // 2, outer, zero)
        ostage[...] = acc
        pltpu.sync_copy(ostage, o_hbm.at[wid])

    return run



def kernel(input, target, target_padding_mask):
    b, s, _ = input.shape
    n = b * s
    mask32 = jnp.pad(
        target_padding_mask.reshape(b, _NW, _CH).astype(jnp.float32),
        ((0, 0), (0, 0), (0, 128 - _CH)))
    sc = _sc_make(_TC_B, b - _TC_B)(input, target, mask32)
    if _TC_B:
        tc = _tc_sums(input, target, _TC_B)
    else:
        tc = jnp.zeros((4,), jnp.float32)
    corr = _corr_sums(input, target, _TC_B, b - _TC_B)
    sc_svg = jnp.sum(sc)

    cnt = jnp.maximum(tc[2] + corr[1], 1.0)
    loss = (10.0 * (tc[0] + sc_svg) / (n * _DEEP)
            + (tc[3] + corr[2]) / (n * _PARAM)
            + 0.1 * (tc[1] + corr[0]) / cnt)
    return loss

# --- scband reference (transcript-rebuilt; emitter-appended) ---
"""Pipeline reference for scband-custom-embedding-slice-loss-72722386255999 (READ-ONLY COPY).

The authoritative reference and input builder live on the scoring server;
editing this copy changes nothing except your own understanding.
"""

import jax, jax.numpy as jnp
import numpy as np

# Assumed embedding layout (from AnimateSVG-style dataset_helper):
# [deep_svg (256) | type one-hot (10) | animation parameters (12)] -> 278 features
DEEP_SVG_DIM = 256
TYPE_DIM = 10
PARAM_DIM = 12
NUM_FEATURES = DEEP_SVG_DIM + TYPE_DIM + PARAM_DIM
PADDING_VALUE = -1.0
WEIGHT_DEEP_SVG = 10.0
WEIGHT_TYPE = 0.1
WEIGHT_PARAMETERS = 1.0

# dataset_helper.ANIMATION_PARAMETER_INDICES encoded as a boolean matrix [TYPE_DIM, PARAM_DIM]
_api_lists = [[0], [0, 1], [1, 2], [3], [4, 5], [6], [7, 8], [9], [10], [11]]
_API = np.zeros((TYPE_DIM, PARAM_DIM), dtype=bool)
for _t, _lst in enumerate(_api_lists):
    for _p in _lst:
        _API[_t, _p] = True
ANIM_PARAM_MASK = jnp.asarray(_API)

B, S = 64, 2048


def setup_inputs(seed: int = 0) -> dict:
    key = jax.random.key(seed)
    k1, k2, k3, k4, k5 = jax.random.split(key, 5)
    lengths = jax.random.randint(k4, (B,), S // 2, S + 1)
    pos = jnp.arange(S)[None, :]
    pad_mask = pos >= lengths[:, None]  # True = padding position
    inp = jax.random.normal(k1, (B, S, NUM_FEATURES), dtype=jnp.float32)
    t_deep = jax.random.normal(k2, (B, S, DEEP_SVG_DIM), dtype=jnp.float32)
    t_types = jax.random.randint(k3, (B, S), 0, TYPE_DIM)
    t_type = jax.nn.one_hot(t_types, TYPE_DIM, dtype=jnp.float32)
    t_type = jnp.where(pad_mask[..., None], PADDING_VALUE, t_type)
    t_param = jax.random.normal(k5, (B, S, PARAM_DIM), dtype=jnp.float32)
    target = jnp.concatenate([t_deep, t_type, t_param], axis=-1)
    return {"input": inp, "target": target, "target_padding_mask": pad_mask}


def _unpack_embedding(x):
    return (
        x[..., :DEEP_SVG_DIM],
        x[..., DEEP_SVG_DIM:DEEP_SVG_DIM + TYPE_DIM],
        x[..., DEEP_SVG_DIM + TYPE_DIM:],
    )


def reference(input, target, target_padding_mask):
    # input[expanded_mask] = -100
    expanded_mask = jnp.broadcast_to(target_padding_mask[..., None], input.shape)
    inp = jnp.where(expanded_mask, -100.0, input)

    in_svg, in_type, in_param = _unpack_embedding(inp)
    tg_svg, tg_type, tg_param = _unpack_embedding(target)

    # python loop with break at first padding row -> cumulative validity mask
    not_pad = (tg_type[..., 0] != PADDING_VALUE)
    valid = jnp.cumprod(not_pad.astype(jnp.int32), axis=1).astype(bool)
    target_value = jnp.argmax(tg_type, axis=-1)  # index of 1 in one-hot
    copy_mask = ANIM_PARAM_MASK[target_value] & valid[..., None]  # [B,S,PARAM_DIM]
    in_param = jnp.where(copy_mask, tg_param, in_param)

    # CrossEntropyLoss(ignore_index=-1)
    in_type_flat = in_type.reshape(-1, TYPE_DIM)
    type_padding_mask = jnp.all(tg_type == PADDING_VALUE, axis=-1)
    tgt = jnp.where(type_padding_mask, -1, jnp.argmax(tg_type, axis=-1)).reshape(-1)
    logp = jax.nn.log_softmax(in_type_flat, axis=-1)
    keep = tgt != -1
    safe_t = jnp.where(keep, tgt, 0)
    nll = -jnp.take_along_axis(logp, safe_t[:, None], axis=1)[:, 0]
    loss_type = jnp.sum(jnp.where(keep, nll, 0.0)) / jnp.maximum(jnp.sum(keep), 1)

    loss_deep_svg = jnp.mean((in_svg - tg_svg) ** 2)
    loss_parameter = jnp.mean((in_param - tg_param) ** 2)

    return (WEIGHT_DEEP_SVG * loss_deep_svg
            + WEIGHT_TYPE * loss_type
            + WEIGHT_PARAMETERS * loss_parameter)

if __name__ == "__main__":
    import jax
    _d = setup_inputs()
    print(jax.jit(kernel)(*tuple(_d.values())))

</pallas_src>

<mosaic_0001>
#map = affine_map<(d0, d1) -> (0, 0, 0)>
#map1 = affine_map<(d0, d1) -> (0, 0)>
module attributes {stable_mosaic.version = 14 : i64} {
  func.func @run(%arg0: i32, %arg1: i32, %arg2: memref<64x2048x278xf32, #tpu.memory_space<hbm>>, %arg3: memref<64x2048x278xf32, #tpu.memory_space<hbm>>, %arg4: memref<64x32x128xf32, #tpu.memory_space<hbm>>, %arg5: memref<32x16xf32, #tpu.memory_space<hbm>>, %arg6: memref<2x64x256xf32, #tpu.memory_space<vmem>>, %arg7: memref<2x64x256xf32, #tpu.memory_space<vmem>>, %arg8: memref<2x128xf32, #tpu.memory_space<vmem>>, %arg9: memref<16xf32, #tpu.memory_space<vmem>>, %arg10: memref<!tpu.dma_semaphore, #tpu.memory_space<semaphore_mem>>, %arg11: memref<!tpu.dma_semaphore, #tpu.memory_space<semaphore_mem>>, %arg12: memref<!tpu.dma_semaphore, #tpu.memory_space<semaphore_mem>>, %arg13: memref<!tpu.dma_semaphore, #tpu.memory_space<semaphore_mem>>, %arg14: memref<!tpu.dma_semaphore, #tpu.memory_space<semaphore_mem>>, %arg15: memref<!tpu.dma_semaphore, #tpu.memory_space<semaphore_mem>>) attributes {dimension_semantics = [#tpu.dimension_semantics<core_parallel>, #tpu.dimension_semantics<subcore_parallel>], iteration_bounds = array<i64: 2, 16>, scalar_prefetch = 0 : i64, scratch_operands = 10 : i64, tpu.core_type = #tpu.core_type<sc_vector_subcore>, window_params = [{transform_indices = #map}, {transform_indices = #map}, {transform_indices = #map}, {transform_indices = #map1}]} {
    %mul3A = arith.constant 2 : i32
    %mul3A_0 = arith.muli %arg1, %mul3A : i32
    %add3A = arith.addi %mul3A_0, %arg0 : i32
    %mul3A_1 = arith.constant 64 : i32
    %mul3A_2 = arith.muli %add3A, %mul3A_1 : i32
    %iota3A = tpu.iota {dimensions = array<i32: 0>} : vector<16xi32>
    %convert_element_type3A = arith.sitofp %iota3A : vector<16xi32> to vector<16xf32>
    %mul3A_3 = arith.constant 0.000000e+00 : f32
    %mul3A_4 = vector.broadcast %mul3A_3 : f32 to vector<16xf32>
    %mul3A_5 = arith.mulf %convert_element_type3A, %mul3A_4 : vector<16xf32>
    %dma_start3A = arith.constant 0 : i32
    %dma_start3A_6 = arith.constant 0 : i32
    %dma_start3A_7 = arith.constant 0 : i32
    %dma_start3A_8 = arith.constant 0 : i32
    %dma_start3A_9 = tpu.memref_slice %arg6[%dma_start3A_6, %dma_start3A_7, %dma_start3A_8] : memref<2x64x256xf32, #tpu.memory_space<vmem>> -> memref<1x64x256xf32, #tpu.memory_space<vmem>>
    %dma_start3A_10 = tpu.memref_squeeze %dma_start3A_9 : memref<1x64x256xf32, #tpu.memory_space<vmem>> -> memref<64x256xf32, #tpu.memory_space<vmem>>
    %dma_start3A_11 = arith.constant 0 : i32
    %dma_start3A_12 = tpu.memref_slice %arg2[%dma_start3A, %mul3A_2, %dma_start3A_11] : memref<64x2048x278xf32, #tpu.memory_space<hbm>> -> memref<1x64x256xf32, #tpu.memory_space<hbm>>
    %dma_start3A_13 = tpu.memref_squeeze %dma_start3A_12 : memref<1x64x256xf32, #tpu.memory_space<hbm>> -> memref<64x256xf32, #tpu.memory_space<hbm>>
    %dma_start3A_14 = arith.constant 0 : i32
    %dma_start3A_15 = arith.constant 0 : i32
    %dma_start3A_16 = tpu.memref_slice %arg6[%dma_start3A_6, %dma_start3A_14, %dma_start3A_15] : memref<2x64x256xf32, #tpu.memory_space<vmem>> -> memref<1x64x256xf32, #tpu.memory_space<vmem>>
    %dma_start3A_17 = tpu.memref_squeeze %dma_start3A_16 : memref<1x64x256xf32, #tpu.memory_space<vmem>> -> memref<64x256xf32, #tpu.memory_space<vmem>>
    %dma_start3A_18 = arith.constant 0 : i32
    %dma_start3A_19 = tpu.memref_slice %arg2[%dma_start3A, %mul3A_2, %dma_start3A_18] : memref<64x2048x278xf32, #tpu.memory_space<hbm>> -> memref<1x64x256xf32, #tpu.memory_space<hbm>>
    %dma_start3A_20 = tpu.memref_squeeze %dma_start3A_19 : memref<1x64x256xf32, #tpu.memory_space<hbm>> -> memref<64x256xf32, #tpu.memory_space<hbm>>
    tpu.enqueue_dma source(%dma_start3A_20 : memref<64x256xf32, #tpu.memory_space<hbm>>) target(%dma_start3A_17 : memref<64x256xf32, #tpu.memory_space<vmem>>) target_semaphore(%arg10 : memref<!tpu.dma_semaphore, #tpu.memory_space<semaphore_mem>>)
    %dma_start3A_21 = arith.constant 0 : i32
    %dma_start3A_22 = arith.constant 0 : i32
    %dma_start3A_23 = arith.constant 0 : i32
    %dma_start3A_24 = arith.constant 0 : i32
    %dma_start3A_25 = tpu.memref_slice %arg7[%dma_start3A_22, %dma_start3A_23, %dma_start3A_24] : memref<2x64x256xf32, #tpu.memory_space<vmem>> -> memref<1x64x256xf32, #tpu.memory_space<vmem>>
    %dma_start3A_26 = tpu.memref_squeeze %dma_start3A_25 : memref<1x64x256xf32, #tpu.memory_space<vmem>> -> memref<64x256xf32, #tpu.memory_space<vmem>>
    %dma_start3A_27 = arith.constant 0 : i32
    %dma_start3A_28 = tpu.memref_slice %arg3[%dma_start3A_21, %mul3A_2, %dma_start3A_27] : memref<64x2048x278xf32, #tpu.memory_space<hbm>> -> memref<1x64x256xf32, #tpu.memory_space<hbm>>
    %dma_start3A_29 = tpu.memref_squeeze %dma_start3A_28 : memref<1x64x256xf32, #tpu.memory_space<hbm>> -> memref<64x256xf32, #tpu.memory_space<hbm>>
    %dma_start3A_30 = arith.constant 0 : i32
    %dma_start3A_31 = arith.constant 0 : i32
    %dma_start3A_32 = tpu.memref_slice %arg7[%dma_start3A_22, %dma_start3A_30, %dma_start3A_31] : memref<2x64x256xf32, #tpu.memory_space<vmem>> -> memref<1x64x256xf32, #tpu.memory_space<vmem>>
    %dma_start3A_33 = tpu.memref_squeeze %dma_start3A_32 : memref<1x64x256xf32, #tpu.memory_space<vmem>> -> memref<64x256xf32, #tpu.memory_space<vmem>>
    %dma_start3A_34 = arith.constant 0 : i32
    %dma_start3A_35 = tpu.memref_slice %arg3[%dma_start3A_21, %mul3A_2, %dma_start3A_34] : memref<64x2048x278xf32, #tpu.memory_space<hbm>> -> memref<1x64x256xf32, #tpu.memory_space<hbm>>
    %dma_start3A_36 = tpu.memref_squeeze %dma_start3A_35 : memref<1x64x256xf32, #tpu.memory_space<hbm>> -> memref<64x256xf32, #tpu.memory_space<hbm>>
    tpu.enqueue_dma source(%dma_start3A_36 : memref<64x256xf32, #tpu.memory_space<hbm>>) target(%dma_start3A_33 : memref<64x256xf32, #tpu.memory_space<vmem>>) target_semaphore(%arg12 : memref<!tpu.dma_semaphore, #tpu.memory_space<semaphore_mem>>)
    %dma_start3A_37 = arith.constant 0 : i32
    %dma_start3A_38 = arith.constant 0 : i32
    %dma_start3A_39 = arith.constant 0 : i32
    %dma_start3A_40 = tpu.memref_slice %arg8[%dma_start3A_38, %dma_start3A_39] : memref<2x128xf32, #tpu.memory_space<vmem>> -> memref<1x128xf32, #tpu.memory_space<vmem>>
    %dma_start3A_41 = tpu.memref_squeeze %dma_start3A_40 : memref<1x128xf32, #tpu.memory_space<vmem>> -> memref<128xf32, #tpu.memory_space<vmem>>
    %dma_start3A_42 = arith.constant 0 : i32
    %dma_start3A_43 = tpu.memref_slice %arg4[%dma_start3A_37, %add3A, %dma_start3A_42] : memref<64x32x128xf32, #tpu.memory_space<hbm>> -> memref<1x1x128xf32, #tpu.memory_space<hbm>>
    %dma_start3A_44 = tpu.memref_squeeze %dma_start3A_43 : memref<1x1x128xf32, #tpu.memory_space<hbm>> -> memref<128xf32, #tpu.memory_space<hbm>>
    %dma_start3A_45 = arith.constant 0 : i32
    %dma_start3A_46 = tpu.memref_slice %arg8[%dma_start3A_38, %dma_start3A_45] : memref<2x128xf32, #tpu.memory_space<vmem>> -> memref<1x128xf32, #tpu.memory_space<vmem>>
    %dma_start3A_47 = tpu.memref_squeeze %dma_start3A_46 : memref<1x128xf32, #tpu.memory_space<vmem>> -> memref<128xf32, #tpu.memory_space<vmem>>
    %dma_start3A_48 = arith.constant 0 : i32
    %dma_start3A_49 = tpu.memref_slice %arg4[%dma_start3A_37, %add3A, %dma_start3A_48] : memref<64x32x128xf32, #tpu.memory_space<hbm>> -> memref<1x1x128xf32, #tpu.memory_space<hbm>>
    %dma_start3A_50 = tpu.memref_squeeze %dma_start3A_49 : memref<1x1x128xf32, #tpu.memory_space<hbm>> -> memref<128xf32, #tpu.memory_space<hbm>>
    tpu.enqueue_dma source(%dma_start3A_50 : memref<128xf32, #tpu.memory_space<hbm>>) target(%dma_start3A_47 : memref<128xf32, #tpu.memory_space<vmem>>) target_semaphore(%arg14 : memref<!tpu.dma_semaphore, #tpu.memory_space<semaphore_mem>>)
    %dma_start3A_51 = arith.constant 1 : i32
    %dma_start3A_52 = arith.constant 1 : i32
    %dma_start3A_53 = arith.constant 0 : i32
    %dma_start3A_54 = arith.constant 0 : i32
    %dma_start3A_55 = tpu.memref_slice %arg6[%dma_start3A_52, %dma_start3A_53, %dma_start3A_54] : memref<2x64x256xf32, #tpu.memory_space<vmem>> -> memref<1x64x256xf32, #tpu.memory_space<vmem>>
    %dma_start3A_56 = tpu.memref_squeeze %dma_start3A_55 : memref<1x64x256xf32, #tpu.memory_space<vmem>> -> memref<64x256xf32, #tpu.memory_space<vmem>>
    %dma_start3A_57 = arith.constant 0 : i32
    %dma_start3A_58 = tpu.memref_slice %arg2[%dma_start3A_51, %mul3A_2, %dma_start3A_57] : memref<64x2048x278xf32, #tpu.memory_space<hbm>> -> memref<1x64x256xf32, #tpu.memory_space<hbm>>
    %dma_start3A_59 = tpu.memref_squeeze %dma_start3A_58 : memref<1x64x256xf32, #tpu.memory_space<hbm>> -> memref<64x256xf32, #tpu.memory_space<hbm>>
    %dma_start3A_60 = arith.constant 0 : i32
    %dma_start3A_61 = arith.constant 0 : i32
    %dma_start3A_62 = tpu.memref_slice %arg6[%dma_start3A_52, %dma_start3A_60, %dma_start3A_61] : memref<2x64x256xf32, #tpu.memory_space<vmem>> -> memref<1x64x256xf32, #tpu.memory_space<vmem>>
    %dma_start3A_63 = tpu.memref_squeeze %dma_start3A_62 : memref<1x64x256xf32, #tpu.memory_space<vmem>> -> memref<64x256xf32, #tpu.memory_space<vmem>>
    %dma_start3A_64 = arith.constant 0 : i32
    %dma_start3A_65 = tpu.memref_slice %arg2[%dma_start3A_51, %mul3A_2, %dma_start3A_64] : memref<64x2048x278xf32, #tpu.memory_space<hbm>> -> memref<1x64x256xf32, #tpu.memory_space<hbm>>
    %dma_start3A_66 = tpu.memref_squeeze %dma_start3A_65 : memref<1x64x256xf32, #tpu.memory_space<hbm>> -> memref<64x256xf32, #tpu.memory_space<hbm>>
    tpu.enqueue_dma source(%dma_start3A_66 : memref<64x256xf32, #tpu.memory_space<hbm>>) target(%dma_start3A_63 : memref<64x256xf32, #tpu.memory_space<vmem>>) target_semaphore(%arg11 : memref<!tpu.dma_semaphore, #tpu.memory_space<semaphore_mem>>)
    %dma_start3A_67 = arith.constant 1 : i32
    %dma_start3A_68 = arith.constant 1 : i32
    %dma_start3A_69 = arith.constant 0 : i32
    %dma_start3A_70 = arith.constant 0 : i32
    %dma_start3A_71 = tpu.memref_slice %arg7[%dma_start3A_68, %dma_start3A_69, %dma_start3A_70] : memref<2x64x256xf32, #tpu.memory_space<vmem>> -> memref<1x64x256xf32, #tpu.memory_space<vmem>>
    %dma_start3A_72 = tpu.memref_squeeze %dma_start3A_71 : memref<1x64x256xf32, #tpu.memory_space<vmem>> -> memref<64x256xf32, #tpu.memory_space<vmem>>
    %dma_start3A_73 = arith.constant 0 : i32
    %dma_start3A_74 = tpu.memref_slice %arg3[%dma_start3A_67, %mul3A_2, %dma_start3A_73] : memref<64x2048x278xf32, #tpu.memory_space<hbm>> -> memref<1x64x256xf32, #tpu.memory_space<hbm>>
    %dma_start3A_75 = tpu.memref_squeeze %dma_start3A_74 : memref<1x64x256xf32, #tpu.memory_space<hbm>> -> memref<64x256xf32, #tpu.memory_space<hbm>>
    %dma_start3A_76 = arith.constant 0 : i32
    %dma_start3A_77 = arith.constant 0 : i32
    %dma_start3A_78 = tpu.memref_slice %arg7[%dma_start3A_68, %dma_start3A_76, %dma_start3A_77] : memref<2x64x256xf32, #tpu.memory_space<vmem>> -> memref<1x64x256xf32, #tpu.memory_space<vmem>>
    %dma_start3A_79 = tpu.memref_squeeze %dma_start3A_78 : memref<1x64x256xf32, #tpu.memory_space<vmem>> -> memref<64x256xf32, #tpu.memory_space<vmem>>
    %dma_start3A_80 = arith.constant 0 : i32
    %dma_start3A_81 = tpu.memref_slice %arg3[%dma_start3A_67, %mul3A_2, %dma_start3A_80] : memref<64x2048x278xf32, #tpu.memory_space<hbm>> -> memref<1x64x256xf32, #tpu.memory_space<hbm>>
    %dma_start3A_82 = tpu.memref_squeeze %dma_start3A_81 : memref<1x64x256xf32, #tpu.memory_space<hbm>> -> memref<64x256xf32, #tpu.memory_space<hbm>>
    tpu.enqueue_dma source(%dma_start3A_82 : memref<64x256xf32, #tpu.memory_space<hbm>>) target(%dma_start3A_79 : memref<64x256xf32, #tpu.memory_space<vmem>>) target_semaphore(%arg13 : memref<!tpu.dma_semaphore, #tpu.memory_space<semaphore_mem>>)
    %dma_start3A_83 = arith.constant 1 : i32
    %dma_start3A_84 = arith.constant 1 : i32
    %dma_start3A_85 = arith.constant 0 : i32
    %dma_start3A_86 = tpu.memref_slice %arg8[%dma_start3A_84, %dma_start3A_85] : memref<2x128xf32, #tpu.memory_space<vmem>> -> memref<1x128xf32, #tpu.memory_space<vmem>>
    %dma_start3A_87 = tpu.memref_squeeze %dma_start3A_86 : memref<1x128xf32, #tpu.memory_space<vmem>> -> memref<128xf32, #tpu.memory_space<vmem>>
    %dma_start3A_88 = arith.constant 0 : i32
    %dma_start3A_89 = tpu.memref_slice %arg4[%dma_start3A_83, %add3A, %dma_start3A_88] : memref<64x32x128xf32, #tpu.memory_space<hbm>> -> memref<1x1x128xf32, #tpu.memory_space<hbm>>
    %dma_start3A_90 = tpu.memref_squeeze %dma_start3A_89 : memref<1x1x128xf32, #tpu.memory_space<hbm>> -> memref<128xf32, #tpu.memory_space<hbm>>
    %dma_start3A_91 = arith.constant 0 : i32
    %dma_start3A_92 = tpu.memref_slice %arg8[%dma_start3A_84, %dma_start3A_91] : memref<2x128xf32, #tpu.memory_space<vmem>> -> memref<1x128xf32, #tpu.memory_space<vmem>>
    %dma_start3A_93 = tpu.memref_squeeze %dma_start3A_92 : memref<1x128xf32, #tpu.memory_space<vmem>> -> memref<128xf32, #tpu.memory_space<vmem>>
    %dma_start3A_94 = arith.constant 0 : i32
    %dma_start3A_95 = tpu.memref_slice %arg4[%dma_start3A_83, %add3A, %dma_start3A_94] : memref<64x32x128xf32, #tpu.memory_space<hbm>> -> memref<1x1x128xf32, #tpu.memory_space<hbm>>
    %dma_start3A_96 = tpu.memref_squeeze %dma_start3A_95 : memref<1x1x128xf32, #tpu.memory_space<hbm>> -> memref<128xf32, #tpu.memory_space<hbm>>
    tpu.enqueue_dma source(%dma_start3A_96 : memref<128xf32, #tpu.memory_space<hbm>>) target(%dma_start3A_93 : memref<128xf32, #tpu.memory_space<vmem>>) target_semaphore(%arg15 : memref<!tpu.dma_semaphore, #tpu.memory_space<semaphore_mem>>)
    %scan3A = arith.constant 0 : i32
    %scan3A_97 = arith.constant 32 : i32
    %scan3A_98 = arith.addi %scan3A, %scan3A_97 : i32
    %scan3A_99 = arith.constant 1 : i32
    %scan3A_100 = scf.for %scan3A_105 = %scan3A to %scan3A_98 step %scan3A_99 iter_args(%scan3A_106 = %mul3A_5) -> (vector<16xf32>)  : i32 {
      %mul3A_107 = arith.constant 2 : i32
      %mul3A_108 = arith.muli %mul3A_107, %scan3A_105 : i32
      %add3A_109 = arith.constant 0 : i32
      %add3A_110 = arith.addi %add3A_109, %mul3A_108 : i32
      %dma_wait3A = arith.constant 0 : i32
      %dma_wait3A_111 = arith.constant 0 : i32
      %dma_wait3A_112 = arith.constant 0 : i32
      %dma_wait3A_113 = tpu.memref_slice %arg6[%dma_wait3A, %dma_wait3A_111, %dma_wait3A_112] : memref<2x64x256xf32, #tpu.memory_space<vmem>> -> memref<1x64x256xf32, #tpu.memory_space<vmem>>
      %dma_wait3A_114 = tpu.memref_squeeze %dma_wait3A_113 : memref<1x64x256xf32, #tpu.memory_space<vmem>> -> memref<64x256xf32, #tpu.memory_space<vmem>>
      %dma_wait3A_115 = arith.constant 0 : i32
      %dma_wait3A_116 = tpu.memref_slice %arg2[%add3A_110, %mul3A_2, %dma_wait3A_115] : memref<64x2048x278xf32, #tpu.memory_space<hbm>> -> memref<1x64x256xf32, #tpu.memory_space<hbm>>
      %dma_wait3A_117 = tpu.memref_squeeze %dma_wait3A_116 : memref<1x64x256xf32, #tpu.memory_space<hbm>> -> memref<64x256xf32, #tpu.memory_space<hbm>>
      %dma_wait3A_118 = arith.constant 0 : i32
      %dma_wait3A_119 = arith.constant 0 : i32
      %dma_wait3A_120 = tpu.memref_slice %arg6[%dma_wait3A, %dma_wait3A_118, %dma_wait3A_119] : memref<2x64x256xf32, #tpu.memory_space<vmem>> -> memref<1x64x256xf32, #tpu.memory_space<vmem>>
      %dma_wait3A_121 = tpu.memref_squeeze %dma_wait3A_120 : memref<1x64x256xf32, #tpu.memory_space<vmem>> -> memref<64x256xf32, #tpu.memory_space<vmem>>
      %dma_wait3A_122 = arith.constant 0 : i32
      %dma_wait3A_123 = tpu.memref_slice %arg2[%add3A_110, %mul3A_2, %dma_wait3A_122] : memref<64x2048x278xf32, #tpu.memory_space<hbm>> -> memref<1x64x256xf32, #tpu.memory_space<hbm>>
      %dma_wait3A_124 = tpu.memref_squeeze %dma_wait3A_123 : memref<1x64x256xf32, #tpu.memory_space<hbm>> -> memref<64x256xf32, #tpu.memory_space<hbm>>
      tpu.wait_dma2 semaphore(%arg10 : memref<!tpu.dma_semaphore, #tpu.memory_space<semaphore_mem>>) src(%dma_wait3A_124 : memref<64x256xf32, #tpu.memory_space<hbm>>) dst(%dma_wait3A_121 : memref<64x256xf32, #tpu.memory_space<vmem>>)
      %add3A_125 = arith.constant 0 : i32
      %add3A_126 = arith.addi %add3A_125, %mul3A_108 : i32
      %dma_wait3A_127 = arith.constant 0 : i32
      %dma_wait3A_128 = arith.constant 0 : i32
      %dma_wait3A_129 = arith.constant 0 : i32
      %dma_wait3A_130 = tpu.memref_slice %arg7[%dma_wait3A_127, %dma_wait3A_128, %dma_wait3A_129] : memref<2x64x256xf32, #tpu.memory_space<vmem>> -> memref<1x64x256xf32, #tpu.memory_space<vmem>>
      %dma_wait3A_131 = tpu.memref_squeeze %dma_wait3A_130 : memref<1x64x256xf32, #tpu.memory_space<vmem>> -> memref<64x256xf32, #tpu.memory_space<vmem>>
      %dma_wait3A_132 = arith.constant 0 : i32
      %dma_wait3A_133 = tpu.memref_slice %arg3[%add3A_126, %mul3A_2, %dma_wait3A_132] : memref<64x2048x278xf32, #tpu.memory_space<hbm>> -> memref<1x64x256xf32, #tpu.memory_space<hbm>>
      %dma_wait3A_134 = tpu.memref_squeeze %dma_wait3A_133 : memref<1x64x256xf32, #tpu.memory_space<hbm>> -> memref<64x256xf32, #tpu.memory_space<hbm>>
      %dma_wait3A_135 = arith.constant 0 : i32
      %dma_wait3A_136 = arith.constant 0 : i32
      %dma_wait3A_137 = tpu.memref_slice %arg7[%dma_wait3A_127, %dma_wait3A_135, %dma_wait3A_136] : memref<2x64x256xf32, #tpu.memory_space<vmem>> -> memref<1x64x256xf32, #tpu.memory_space<vmem>>
      %dma_wait3A_138 = tpu.memref_squeeze %dma_wait3A_137 : memref<1x64x256xf32, #tpu.memory_space<vmem>> -> memref<64x256xf32, #tpu.memory_space<vmem>>
      %dma_wait3A_139 = arith.constant 0 : i32
      %dma_wait3A_140 = tpu.memref_slice %arg3[%add3A_126, %mul3A_2, %dma_wait3A_139] : memref<64x2048x278xf32, #tpu.memory_space<hbm>> -> memref<1x64x256xf32, #tpu.memory_space<hbm>>
      %dma_wait3A_141 = tpu.memref_squeeze %dma_wait3A_140 : memref<1x64x256xf32, #tpu.memory_space<hbm>> -> memref<64x256xf32, #tpu.memory_space<hbm>>
      tpu.wait_dma2 semaphore(%arg12 : memref<!tpu.dma_semaphore, #tpu.memory_space<semaphore_mem>>) src(%dma_wait3A_141 : memref<64x256xf32, #tpu.memory_space<hbm>>) dst(%dma_wait3A_138 : memref<64x256xf32, #tpu.memory_space<vmem>>)
      %add3A_142 = arith.constant 0 : i32
      %add3A_143 = arith.addi %add3A_142, %mul3A_108 : i32
      %dma_wait3A_144 = arith.constant 0 : i32
      %dma_wait3A_145 = arith.constant 0 : i32
      %dma_wait3A_146 = tpu.memref_slice %arg8[%dma_wait3A_144, %dma_wait3A_145] : memref<2x128xf32, #tpu.memory_space<vmem>> -> memref<1x128xf32, #tpu.memory_space<vmem>>
      %dma_wait3A_147 = tpu.memref_squeeze %dma_wait3A_146 : memref<1x128xf32, #tpu.memory_space<vmem>> -> memref<128xf32, #tpu.memory_space<vmem>>
      %dma_wait3A_148 = arith.constant 0 : i32
      %dma_wait3A_149 = tpu.memref_slice %arg4[%add3A_143, %add3A, %dma_wait3A_148] : memref<64x32x128xf32, #tpu.memory_space<hbm>> -> memref<1x1x128xf32, #tpu.memory_space<hbm>>
      %dma_wait3A_150 = tpu.memref_squeeze %dma_wait3A_149 : memref<1x1x128xf32, #tpu.memory_space<hbm>> -> memref<128xf32, #tpu.memory_space<hbm>>
      %dma_wait3A_151 = arith.constant 0 : i32
      %dma_wait3A_152 = tpu.memref_slice %arg8[%dma_wait3A_144, %dma_wait3A_151] : memref<2x128xf32, #tpu.memory_space<vmem>> -> memref<1x128xf32, #tpu.memory_space<vmem>>
      %dma_wait3A_153 = tpu.memref_squeeze %dma_wait3A_152 : memref<1x128xf32, #tpu.memory_space<vmem>> -> memref<128xf32, #tpu.memory_space<vmem>>
      %dma_wait3A_154 = arith.constant 0 : i32
      %dma_wait3A_155 = tpu.memref_slice %arg4[%add3A_143, %add3A, %dma_wait3A_154] : memref<64x32x128xf32, #tpu.memory_space<hbm>> -> memref<1x1x128xf32, #tpu.memory_space<hbm>>
      %dma_wait3A_156 = tpu.memref_squeeze %dma_wait3A_155 : memref<1x1x128xf32, #tpu.memory_space<hbm>> -> memref<128xf32, #tpu.memory_space<hbm>>
      tpu.wait_dma2 semaphore(%arg14 : memref<!tpu.dma_semaphore, #tpu.memory_space<semaphore_mem>>) src(%dma_wait3A_156 : memref<128xf32, #tpu.memory_space<hbm>>) dst(%dma_wait3A_153 : memref<128xf32, #tpu.memory_space<vmem>>)
      %scan3A_157 = arith.constant 0 : i32
      %scan3A_158 = arith.constant 0 : i32
      %scan3A_159 = arith.constant 0 : i32
      %scan3A_160 = arith.constant 0 : i32
      %scan3A_161 = arith.constant 64 : i32
      %scan3A_162 = arith.addi %scan3A_160, %scan3A_161 : i32
      %scan3A_163 = arith.constant 1 : i32
      %scan3A_164 = scf.for %scan3A_238 = %scan3A_160 to %scan3A_162 step %scan3A_163 iter_args(%scan3A_239 = %scan3A_106) -> (vector<16xf32>)  : i32 {
        %get3A = arith.constant 0 : i32
        %get3A_240 = tpu.memref_slice %arg8[%scan3A_157, %get3A] : memref<2x128xf32, #tpu.memory_space<vmem>> -> memref<1x128xf32, #tpu.memory_space<vmem>>
        %get3A_241 = tpu.memref_squeeze %get3A_240 : memref<1x128xf32, #tpu.memory_space<vmem>> -> memref<128xf32, #tpu.memory_space<vmem>>
        %get3A_242 = arith.index_cast %scan3A_238 : i32 to index
        %get3A_243 = tpu.vector_load %get3A_241[%get3A_242] {strides = array<i32>} : memref<128xf32, #tpu.memory_space<vmem>>, vector<16xf32>,
        %get3A_244 = vector.shape_cast %get3A_243 : vector<16xf32> to vector<16xf32>
        %slice3A = vector.extract_strided_slice %get3A_244 {offsets = [0], sizes = [1], strides = [1]} : vector<16xf32> to vector<1xf32>
        %squeeze3A = vector.extract %slice3A[0] : f32 from vector<1xf32>
        %eq3A = arith.constant 1.000000e+00 : f32
        %eq3A_245 = arith.cmpf oeq, %squeeze3A, %eq3A : f32
        %get3A_246 = arith.constant 0 : i32
        %get3A_247 = arith.constant 0 : i32
        %get3A_248 = tpu.memref_slice %arg6[%scan3A_158, %get3A_246, %get3A_247] : memref<2x64x256xf32, #tpu.memory_space<vmem>> -> memref<1x64x256xf32, #tpu.memory_space<vmem>>
        %get3A_249 = tpu.memref_squeeze %get3A_248 : memref<1x64x256xf32, #tpu.memory_space<vmem>> -> memref<64x256xf32, #tpu.memory_space<vmem>>
        %get3A_250 = arith.index_cast %scan3A_238 : i32 to index
        %get3A_251 = arith.constant 0 : index
        %get3A_252 = tpu.vector_load %get3A_249[%get3A_250, %get3A_251] {strides = array<i32>} : memref<64x256xf32, #tpu.memory_space<vmem>>, vector<1x16xf32>,
        %get3A_253 = vector.shape_cast %get3A_252 : vector<1x16xf32> to vector<16xf32>
        %get3A_254 = arith.constant 0 : i32
        %get3A_255 = arith.constant 0 : i32
        %get3A_256 = tpu.memref_slice %arg7[%scan3A_159, %get3A_254, %get3A_255] : memref<2x64x256xf32, #tpu.memory_space<vmem>> -> memref<1x64x256xf32, #tpu.memory_space<vmem>>
        %get3A_257 = tpu.memref_squeeze %get3A_256 : memref<1x64x256xf32, #tpu.memory_space<vmem>> -> memref<64x256xf32, #tpu.memory_space<vmem>>
        %get3A_258 = arith.index_cast %scan3A_238 : i32 to index
        %get3A_259 = arith.constant 0 : index
        %get3A_260 = tpu.vector_load %get3A_257[%get3A_258, %get3A_259] {strides = array<i32>} : memref<64x256xf32, #tpu.memory_space<vmem>>, vector<1x16xf32>,
        %get3A_261 = vector.shape_cast %get3A_260 : vector<1x16xf32> to vector<16xf32>
        %add3A_262 = arith.constant 1.000000e+02 : f32
        %add3A_263 = vector.broadcast %add3A_262 : f32 to vector<16xf32>
        %add3A_264 = arith.addf %add3A_263, %get3A_261 : vector<16xf32>
        %sub3A = arith.subf %get3A_253, %get3A_261 : vector<16xf32>
        %select_n3A = arith.select %eq3A_245, %add3A_264, %sub3A : vector<16xf32>
        %mul3A_265 = arith.mulf %select_n3A, %select_n3A : vector<16xf32>
        %add3A_266 = arith.addf %scan3A_239, %mul3A_265 : vector<16xf32>
        %get3A_267 = arith.constant 0 : i32
        %get3A_268 = arith.constant 0 : i32
        %get3A_269 = tpu.memref_slice %arg6[%scan3A_158, %get3A_267, %get3A_268] : memref<2x64x256xf32, #tpu.memory_space<vmem>> -> memref<1x64x256xf32, #tpu.memory_space<vmem>>
        %get3A_270 = tpu.memref_squeeze %get3A_269 : memref<1x64x256xf32, #tpu.memory_space<vmem>> -> memref<64x256xf32, #tpu.memory_space<vmem>>
        %get3A_271 = arith.index_cast %scan3A_238 : i32 to index
        %get3A_272 = arith.constant 16 : index
        %get3A_273 = tpu.vector_load %get3A_270[%get3A_271, %get3A_272] {strides = array<i32>} : memref<64x256xf32, #tpu.memory_space<vmem>>, vector<1x16xf32>,
        %get3A_274 = vector.shape_cast %get3A_273 : vector<1x16xf32> to vector<16xf32>
        %get3A_275 = arith.constant 0 : i32
        %get3A_276 = arith.constant 0 : i32
        %get3A_277 = tpu.memref_slice %arg7[%scan3A_159, %get3A_275, %get3A_276] : memref<2x64x256xf32, #tpu.memory_space<vmem>> -> memref<1x64x256xf32, #tpu.memory_space<vmem>>
        %get3A_278 = tpu.memref_squeeze %get3A_277 : memref<1x64x256xf32, #tpu.memory_space<vmem>> -> memref<64x256xf32, #tpu.memory_space<vmem>>
        %get3A_279 = arith.index_cast %scan3A_238 : i32 to index
        %get3A_280 = arith.constant 16 : index
        %get3A_281 = tpu.vector_load %get3A_278[%get3A_279, %get3A_280] {strides = array<i32>} : memref<64x256xf32, #tpu.memory_space<vmem>>, vector<1x16xf32>,
        %get3A_282 = vector.shape_cast %get3A_281 : vector<1x16xf32> to vector<16xf32>
        %add3A_283 = arith.constant 1.000000e+02 : f32
        %add3A_284 = vector.broadcast %add3A_283 : f32 to vector<16xf32>
        %add3A_285 = arith.addf %add3A_284, %get3A_282 : vector<16xf32>
        %sub3A_286 = arith.subf %get3A_274, %get3A_282 : vector<16xf32>
        %select_n3A_287 = arith.select %eq3A_245, %add3A_285, %sub3A_286 : vector<16xf32>
        %mul3A_288 = arith.mulf %select_n3A_287, %select_n3A_287 : vector<16xf32>
        %add3A_289 = arith.addf %add3A_266, %mul3A_288 : vector<16xf32>
        %get3A_290 = arith.constant 0 : i32
        %get3A_291 = arith.constant 0 : i32
        %get3A_292 = tpu.memref_slice %arg6[%scan3A_158, %get3A_290, %get3A_291] : memref<2x64x256xf32, #tpu.memory_space<vmem>> -> memref<1x64x256xf32, #tpu.memory_space<vmem>>
        %get3A_293 = tpu.memref_squeeze %get3A_292 : memref<1x64x256xf32, #tpu.memory_space<vmem>> -> memref<64x256xf32, #tpu.memory_space<vmem>>
        %get3A_294 = arith.index_cast %scan3A_238 : i32 to index
        %get3A_295 = arith.constant 32 : index
        %get3A_296 = tpu.vector_load %get3A_293[%get3A_294, %get3A_295] {strides = array<i32>} : memref<64x256xf32, #tpu.memory_space<vmem>>, vector<1x16xf32>,
        %get3A_297 = vector.shape_cast %get3A_296 : vector<1x16xf32> to vector<16xf32>
        %get3A_298 = arith.constant 0 : i32
        %get3A_299 = arith.constant 0 : i32
        %get3A_300 = tpu.memref_slice %arg7[%scan3A_159, %get3A_298, %get3A_299] : memref<2x64x256xf32, #tpu.memory_space<vmem>> -> memref<1x64x256xf32, #tpu.memory_space<vmem>>
        %get3A_301 = tpu.memref_squeeze %get3A_300 : memref<1x64x256xf32, #tpu.memory_space<vmem>> -> memref<64x256xf32, #tpu.memory_space<vmem>>
        %get3A_302 = arith.index_cast %scan3A_238 : i32 to index
        %get3A_303 = arith.constant 32 : index
        %get3A_304 = tpu.vector_load %get3A_301[%get3A_302, %get3A_303] {strides = array<i32>} : memref<64x256xf32, #tpu.memory_space<vmem>>, vector<1x16xf32>,
        %get3A_305 = vector.shape_cast %get3A_304 : vector<1x16xf32> to vector<16xf32>
        %add3A_306 = arith.constant 1.000000e+02 : f32
        %add3A_307 = vector.broadcast %add3A_306 : f32 to vector<16xf32>
        %add3A_308 = arith.addf %add3A_307, %get3A_305 : vector<16xf32>
        %sub3A_309 = arith.subf %get3A_297, %get3A_305 : vector<16xf32>
        %select_n3A_310 = arith.select %eq3A_245, %add3A_308, %sub3A_309 : vector<16xf32>
        %mul3A_311 = arith.mulf %select_n3A_310, %select_n3A_310 : vector<16xf32>
        %add3A_312 = arith.addf %add3A_289, %mul3A_311 : vector<16xf32>
        %get3A_313 = arith.constant 0 : i32
        %get3A_314 = arith.constant 0 : i32
        %get3A_315 = tpu.memref_slice %arg6[%scan3A_158, %get3A_313, %get3A_314] : memref<2x64x256xf32, #tpu.memory_space<vmem>> -> memref<1x64x256xf32, #tpu.memory_space<vmem>>
        %get3A_316 = tpu.memref_squeeze %get3A_315 : memref<1x64x256xf32, #tpu.memory_space<vmem>> -> memref<64x256xf32, #tpu.memory_space<vmem>>
        %get3A_317 = arith.index_cast %scan3A_238 : i32 to index
        %get3A_318 = arith.constant 48 : index
        %get3A_319 = tpu.vector_load %get3A_316[%get3A_317, %get3A_318] {strides = array<i32>} : memref<64x256xf32, #tpu.memory_space<vmem>>, vector<1x16xf32>,
        %get3A_320 = vector.shape_cast %get3A_319 : vector<1x16xf32> to vector<16xf32>
        %get3A_321 = arith.constant 0 : i32
        %get3A_322 = arith.constant 0 : i32
        %get3A_323 = tpu.memref_slice %arg7[%scan3A_159, %get3A_321, %get3A_322] : memref<2x64x256xf32, #tpu.memory_space<vmem>> -> memref<1x64x256xf32, #tpu.memory_space<vmem>>
        %get3A_324 = tpu.memref_squeeze %get3A_323 : memref<1x64x256xf32, #tpu.memory_space<vmem>> -> memref<64x256xf32, #tpu.memory_space<vmem>>
        %get3A_325 = arith.index_cast %scan3A_238 : i32 to index
        %get3A_326 = arith.constant 48 : index
        %get3A_327 = tpu.vector_load %get3A_324[%get3A_325, %get3A_326] {strides = array<i32>} : memref<64x256xf32, #tpu.memory_space<vmem>>, vector<1x16xf32>,
        %get3A_328 = vector.shape_cast %get3A_327 : vector<1x16xf32> to vector<16xf32>
        %add3A_329 = arith.constant 1.000000e+02 : f32
        %add3A_330 = vector.broadcast %add3A_329 : f32 to vector<16xf32>
        %add3A_331 = arith.addf %add3A_330, %get3A_328 : vector<16xf32>
        %sub3A_332 = arith.subf %get3A_320, %get3A_328 : vector<16xf32>
        %select_n3A_333 = arith.select %eq3A_245, %add3A_331, %sub3A_332 : vector<16xf32>
        %mul3A_334 = arith.mulf %select_n3A_333, %select_n3A_333 : vector<16xf32>
        %add3A_335 = arith.addf %add3A_312, %mul3A_334 : vector<16xf32>
        %get3A_336 = arith.constant 0 : i32
        %get3A_337 = arith.constant 0 : i32
        %get3A_338 = tpu.memref_slice %arg6[%scan3A_158, %get3A_336, %get3A_337] : memref<2x64x256xf32, #tpu.memory_space<vmem>> -> memref<1x64x256xf32, #tpu.memory_space<vmem>>
        %get3A_339 = tpu.memref_squeeze %get3A_338 : memref<1x64x256xf32, #tpu.memory_space<vmem>> -> memref<64x256xf32, #tpu.memory_space<vmem>>
        %get3A_340 = arith.index_cast %scan3A_238 : i32 to index
        %get3A_341 = arith.constant 64 : index
        %get3A_342 = tpu.vector_load %get3A_339[%get3A_340, %get3A_341] {strides = array<i32>} : memref<64x256xf32, #tpu.memory_space<vmem>>, vector<1x16xf32>,
        %get3A_343 = vector.shape_cast %get3A_342 : vector<1x16xf32> to vector<16xf32>
        %get3A_344 = arith.constant 0 : i32
        %get3A_345 = arith.constant 0 : i32
        %get3A_346 = tpu.memref_slice %arg7[%scan3A_159, %get3A_344, %get3A_345] : memref<2x64x256xf32, #tpu.memory_space<vmem>> -> memref<1x64x256xf32, #tpu.memory_space<vmem>>
        %get3A_347 = tpu.memref_squeeze %get3A_346 : memref<1x64x256xf32, #tpu.memory_space<vmem>> -> memref<64x256xf32, #tpu.memory_space<vmem>>
        %get3A_348 = arith.index_cast %scan3A_238 : i32 to index
        %get3A_349 = arith.constant 64 : index
        %get3A_350 = tpu.vector_load %get3A_347[%get3A_348, %get3A_349] {strides = array<i32>} : memref<64x256xf32, #tpu.memory_space<vmem>>, vector<1x16xf32>,
        %get3A_351 = vector.shape_cast %get3A_350 : vector<1x16xf32> to vector<16xf32>
        %add3A_352 = arith.constant 1.000000e+02 : f32
        %add3A_353 = vector.broadcast %add3A_352 : f32 to vector<16xf32>
        %add3A_354 = arith.addf %add3A_353, %get3A_351 : vector<16xf32>
        %sub3A_355 = arith.subf %get3A_343, %get3A_351 : vector<16xf32>
        %select_n3A_356 = arith.select %eq3A_245, %add3A_354, %sub3A_355 : vector<16xf32>
        %mul3A_357 = arith.mulf %select_n3A_356, %select_n3A_356 : vector<16xf32>
        %add3A_358 = arith.addf %add3A_335, %mul3A_357 : vector<16xf32>
        %get3A_359 = arith.constant 0 : i32
        %get3A_360 = arith.constant 0 : i32
        %get3A_361 = tpu.memref_slice %arg6[%scan3A_158, %get3A_359, %get3A_360] : memref<2x64x256xf32, #tpu.memory_space<vmem>> -> memref<1x64x256xf32, #tpu.memory_space<vmem>>
        %get3A_362 = tpu.memref_squeeze %get3A_361 : memref<1x64x256xf32, #tpu.memory_space<vmem>> -> memref<64x256xf32, #tpu.memory_space<vmem>>
        %get3A_363 = arith.index_cast %scan3A_238 : i32 to index
        %get3A_364 = arith.constant 80 : index
        %get3A_365 = tpu.vector_load %get3A_362[%get3A_363, %get3A_364] {strides = array<i32>} : memref<64x256xf32, #tpu.memory_space<vmem>>, vector<1x16xf32>,
        %get3A_366 = vector.shape_cast %get3A_365 : vector<1x16xf32> to vector<16xf32>
        %get3A_367 = arith.constant 0 : i32
        %get3A_368 = arith.constant 0 : i32
        %get3A_369 = tpu.memref_slice %arg7[%scan3A_159, %get3A_367, %get3A_368] : memref<2x64x256xf32, #tpu.memory_space<vmem>> -> memref<1x64x256xf32, #tpu.memory_space<vmem>>
        %get3A_370 = tpu.memref_squeeze %get3A_369 : memref<1x64x256xf32, #tpu.memory_space<vmem>> -> memref<64x256xf32, #tpu.memory_space<vmem>>
        %get3A_371 = arith.index_cast %scan3A_238 : i32 to index
        %get3A_372 = arith.constant 80 : index
        %get3A_373 = tpu.vector_load %get3A_370[%get3A_371, %get3A_372] {strides = array<i32>} : memref<64x256xf32, #tpu.memory_space<vmem>>, vector<1x16xf32>,
        %get3A_374 = vector.shape_cast %get3A_373 : vector<1x16xf32> to vector<16xf32>
        %add3A_375 = arith.constant 1.000000e+02 : f32
        %add3A_376 = vector.broadcast %add3A_375 : f32 to vector<16xf32>
        %add3A_377 = arith.addf %add3A_376, %get3A_374 : vector<16xf32>
        %sub3A_378 = arith.subf %get3A_366, %get3A_374 : vector<16xf32>
        %select_n3A_379 = arith.select %eq3A_245, %add3A_377, %sub3A_378 : vector<16xf32>
        %mul3A_380 = arith.mulf %select_n3A_379, %select_n3A_379 : vector<16xf32>
        %add3A_381 = arith.addf %add3A_358, %mul3A_380 : vector<16xf32>
        %get3A_382 = arith.constant 0 : i32
        %get3A_383 = arith.constant 0 : i32
        %get3A_384 = tpu.memref_slice %arg6[%scan3A_158, %get3A_382, %get3A_383] : memref<2x64x256xf32, #tpu.memory_space<vmem>> -> memref<1x64x256xf32, #tpu.memory_space<vmem>>
        %get3A_385 = tpu.memref_squeeze %get3A_384 : memref<1x64x256xf32, #tpu.memory_space<vmem>> -> memref<64x256xf32, #tpu.memory_space<vmem>>
        %get3A_386 = arith.index_cast %scan3A_238 : i32 to index
        %get3A_387 = arith.constant 96 : index
        %get3A_388 = tpu.vector_load %get3A_385[%get3A_386, %get3A_387] {strides = array<i32>} : memref<64x256xf32, #tpu.memory_space<vmem>>, vector<1x16xf32>,
        %get3A_389 = vector.shape_cast %get3A_388 : vector<1x16xf32> to vector<16xf32>
        %get3A_390 = arith.constant 0 : i32
        %get3A_391 = arith.constant 0 : i32
        %get3A_392 = tpu.memref_slice %arg7[%scan3A_159, %get3A_390, %get3A_391] : memref<2x64x256xf32, #tpu.memory_space<vmem>> -> memref<1x64x256xf32, #tpu.memory_space<vmem>>
        %get3A_393 = tpu.memref_squeeze %get3A_392 : memref<1x64x256xf32, #tpu.memory_space<vmem>> -> memref<64x256xf32, #tpu.memory_space<vmem>>
        %get3A_394 = arith.index_cast %scan3A_238 : i32 to index
        %get3A_395 = arith.constant 96 : index
        %get3A_396 = tpu.vector_load %get3A_393[%get3A_394, %get3A_395] {strides = array<i32>} : memref<64x256xf32, #tpu.memory_space<vmem>>, vector<1x16xf32>,
        %get3A_397 = vector.shape_cast %get3A_396 : vector<1x16xf32> to vector<16xf32>
        %add3A_398 = arith.constant 1.000000e+02 : f32
        %add3A_399 = vector.broadcast %add3A_398 : f32 to vector<16xf32>
        %add3A_400 = arith.addf %add3A_399, %get3A_397 : vector<16xf32>
        %sub3A_401 = arith.subf %get3A_389, %get3A_397 : vector<16xf32>
        %select_n3A_402 = arith.select %eq3A_245, %add3A_400, %sub3A_401 : vector<16xf32>
        %mul3A_403 = arith.mulf %select_n3A_402, %select_n3A_402 : vector<16xf32>
        %add3A_404 = arith.addf %add3A_381, %mul3A_403 : vector<16xf32>
        %get3A_405 = arith.constant 0 : i32
        %get3A_406 = arith.constant 0 : i32
        %get3A_407 = tpu.memref_slice %arg6[%scan3A_158, %get3A_405, %get3A_406] : memref<2x64x256xf32, #tpu.memory_space<vmem>> -> memref<1x64x256xf32, #tpu.memory_space<vmem>>
        %get3A_408 = tpu.memref_squeeze %get3A_407 : memref<1x64x256xf32, #tpu.memory_space<vmem>> -> memref<64x256xf32, #tpu.memory_space<vmem>>
        %get3A_409 = arith.index_cast %scan3A_238 : i32 to index
        %get3A_410 = arith.constant 112 : index
        %get3A_411 = tpu.vector_load %get3A_408[%get3A_409, %get3A_410] {strides = array<i32>} : memref<64x256xf32, #tpu.memory_space<vmem>>, vector<1x16xf32>,
        %get3A_412 = vector.shape_cast %get3A_411 : vector<1x16xf32> to vector<16xf32>
        %get3A_413 = arith.constant 0 : i32
        %get3A_414 = arith.constant 0 : i32
        %get3A_415 = tpu.memref_slice %arg7[%scan3A_159, %get3A_413, %get3A_414] : memref<2x64x256xf32, #tpu.memory_space<vmem>> -> memref<1x64x256xf32, #tpu.memory_space<vmem>>
        %get3A_416 = tpu.memref_squeeze %get3A_415 : memref<1x64x256xf32, #tpu.memory_space<vmem>> -> memref<64x256xf32, #tpu.memory_space<vmem>>
        %get3A_417 = arith.index_cast %scan3A_238 : i32 to index
        %get3A_418 = arith.constant 112 : index
        %get3A_419 = tpu.vector_load %get3A_416[%get3A_417, %get3A_418] {strides = array<i32>} : memref<64x256xf32, #tpu.memory_space<vmem>>, vector<1x16xf32>,
        %get3A_420 = vector.shape_cast %get3A_419 : vector<1x16xf32> to vector<16xf32>
        %add3A_421 = arith.constant 1.000000e+02 : f32
        %add3A_422 = vector.broadcast %add3A_421 : f32 to vector<16xf32>
        %add3A_423 = arith.addf %add3A_422, %get3A_420 : vector<16xf32>
        %sub3A_424 = arith.subf %get3A_412, %get3A_420 : vector<16xf32>
        %select_n3A_425 = arith.select %eq3A_245, %add3A_423, %sub3A_424 : vector<16xf32>
        %mul3A_426 = arith.mulf %select_n3A_425, %select_n3A_425 : vector<16xf32>
        %add3A_427 = arith.addf %add3A_404, %mul3A_426 : vector<16xf32>
        %get3A_428 = arith.constant 0 : i32
        %get3A_429 = arith.constant 0 : i32
        %get3A_430 = tpu.memref_slice %arg6[%scan3A_158, %get3A_428, %get3A_429] : memref<2x64x256xf32, #tpu.memory_space<vmem>> -> memref<1x64x256xf32, #tpu.memory_space<vmem>>
        %get3A_431 = tpu.memref_squeeze %get3A_430 : memref<1x64x256xf32, #tpu.memory_space<vmem>> -> memref<64x256xf32, #tpu.memory_space<vmem>>
        %get3A_432 = arith.index_cast %scan3A_238 : i32 to index
        %get3A_433 = arith.constant 128 : index
        %get3A_434 = tpu.vector_load %get3A_431[%get3A_432, %get3A_433] {strides = array<i32>} : memref<64x256xf32, #tpu.memory_space<vmem>>, vector<1x16xf32>,
        %get3A_435 = vector.shape_cast %get3A_434 : vector<1x16xf32> to vector<16xf32>
        %get3A_436 = arith.constant 0 : i32
        %get3A_437 = arith.constant 0 : i32
        %get3A_438 = tpu.memref_slice %arg7[%scan3A_159, %get3A_436, %get3A_437] : memref<2x64x256xf32, #tpu.memory_space<vmem>> -> memref<1x64x256xf32, #tpu.memory_space<vmem>>
        %get3A_439 = tpu.memref_squeeze %get3A_438 : memref<1x64x256xf32, #tpu.memory_space<vmem>> -> memref<64x256xf32, #tpu.memory_space<vmem>>
        %get3A_440 = arith.index_cast %scan3A_238 : i32 to index
        %get3A_441 = arith.constant 128 : index
        %get3A_442 = tpu.vector_load %get3A_439[%get3A_440, %get3A_441] {strides = array<i32>} : memref<64x256xf32, #tpu.memory_space<vmem>>, vector<1x16xf32>,
        %get3A_443 = vector.shape_cast %get3A_442 : vector<1x16xf32> to vector<16xf32>
        %add3A_444 = arith.constant 1.000000e+02 : f32
        %add3A_445 = vector.broadcast %add3A_444 : f32 to vector<16xf32>
        %add3A_446 = arith.addf %add3A_445, %get3A_443 : vector<16xf32>
        %sub3A_447 = arith.subf %get3A_435, %get3A_443 : vector<16xf32>
        %select_n3A_448 = arith.select %eq3A_245, %add3A_446, %sub3A_447 : vector<16xf32>
        %mul3A_449 = arith.mulf %select_n3A_448, %select_n3A_448 : vector<16xf32>
        %add3A_450 = arith.addf %add3A_427, %mul3A_449 : vector<16xf32>
        %get3A_451 = arith.constant 0 : i32
        %get3A_452 = arith.constant 0 : i32
        %get3A_453 = tpu.memref_slice %arg6[%scan3A_158, %get3A_451, %get3A_452] : memref<2x64x256xf32, #tpu.memory_space<vmem>> -> memref<1x64x256xf32, #tpu.memory_space<vmem>>
        %get3A_454 = tpu.memref_squeeze %get3A_453 : memref<1x64x256xf32, #tpu.memory_space<vmem>> -> memref<64x256xf32, #tpu.memory_space<vmem>>
        %get3A_455 = arith.index_cast %scan3A_238 : i32 to index
        %get3A_456 = arith.constant 144 : index
        %get3A_457 = tpu.vector_load %get3A_454[%get3A_455, %get3A_456] {strides = array<i32>} : memref<64x256xf32, #tpu.memory_space<vmem>>, vector<1x16xf32>,
        %get3A_458 = vector.shape_cast %get3A_457 : vector<1x16xf32> to vector<16xf32>
        %get3A_459 = arith.constant 0 : i32
        %get3A_460 = arith.constant 0 : i32
        %get3A_461 = tpu.memref_slice %arg7[%scan3A_159, %get3A_459, %get3A_460] : memref<2x64x256xf32, #tpu.memory_space<vmem>> -> memref<1x64x256xf32, #tpu.memory_space<vmem>>
        %get3A_462 = tpu.memref_squeeze %get3A_461 : memref<1x64x256xf32, #tpu.memory_space<vmem>> -> memref<64x256xf32, #tpu.memory_space<vmem>>
        %get3A_463 = arith.index_cast %scan3A_238 : i32 to index
        %get3A_464 = arith.constant 144 : index
        %get3A_465 = tpu.vector_load %get3A_462[%get3A_463, %get3A_464] {strides = array<i32>} : memref<64x256xf32, #tpu.memory_space<vmem>>, vector<1x16xf32>,
        %get3A_466 = vector.shape_cast %get3A_465 : vector<1x16xf32> to vector<16xf32>
        %add3A_467 = arith.constant 1.000000e+02 : f32
        %add3A_468 = vector.broadcast %add3A_467 : f32 to vector<16xf32>
        %add3A_469 = arith.addf %add3A_468, %get3A_466 : vector<16xf32>
        %sub3A_470 = arith.subf %get3A_458, %get3A_466 : vector<16xf32>
        %select_n3A_471 = arith.select %eq3A_245, %add3A_469, %sub3A_470 : vector<16xf32>
        %mul3A_472 = arith.mulf %select_n3A_471, %select_n3A_471 : vector<16xf32>
        %add3A_473 = arith.addf %add3A_450, %mul3A_472 : vector<16xf32>
        %get3A_474 = arith.constant 0 : i32
        %get3A_475 = arith.constant 0 : i32
        %get3A_476 = tpu.memref_slice %arg6[%scan3A_158, %get3A_474, %get3A_475] : memref<2x64x256xf32, #tpu.memory_space<vmem>> -> memref<1x64x256xf32, #tpu.memory_space<vmem>>
        %get3A_477 = tpu.memref_squeeze %get3A_476 : memref<1x64x256xf32, #tpu.memory_space<vmem>> -> memref<64x256xf32, #tpu.memory_space<vmem>>
        %get3A_478 = arith.index_cast %scan3A_238 : i32 to index
        %get3A_479 = arith.constant 160 : index
        %get3A_480 = tpu.vector_load %get3A_477[%get3A_478, %get3A_479] {strides = array<i32>} : memref<64x256xf32, #tpu.memory_space<vmem>>, vector<1x16xf32>,
        %get3A_481 = vector.shape_cast %get3A_480 : vector<1x16xf32> to vector<16xf32>
        %get3A_482 = arith.constant 0 : i32
        %get3A_483 = arith.constant 0 : i32
        %get3A_484 = tpu.memref_slice %arg7[%scan3A_159, %get3A_482, %get3A_483] : memref<2x64x256xf32, #tpu.memory_space<vmem>> -> memref<1x64x256xf32, #tpu.memory_space<vmem>>
        %get3A_485 = tpu.memref_squeeze %get3A_484 : memref<1x64x256xf32, #tpu.memory_space<vmem>> -> memref<64x256xf32, #tpu.memory_space<vmem>>
        %get3A_486 = arith.index_cast %scan3A_238 : i32 to index
        %get3A_487 = arith.constant 160 : index
        %get3A_488 = tpu.vector_load %get3A_485[%get3A_486, %get3A_487] {strides = array<i32>} : memref<64x256xf32, #tpu.memory_space<vmem>>, vector<1x16xf32>,
        %get3A_489 = vector.shape_cast %get3A_488 : vector<1x16xf32> to vector<16xf32>
        %add3A_490 = arith.constant 1.000000e+02 : f32
        %add3A_491 = vector.broadcast %add3A_490 : f32 to vector<16xf32>
        %add3A_492 = arith.addf %add3A_491, %get3A_489 : vector<16xf32>
        %sub3A_493 = arith.subf %get3A_481, %get3A_489 : vector<16xf32>
        %select_n3A_494 = arith.select %eq3A_245, %add3A_492, %sub3A_493 : vector<16xf32>
        %mul3A_495 = arith.mulf %select_n3A_494, %select_n3A_494 : vector<16xf32>
        %add3A_496 = arith.addf %add3A_473, %mul3A_495 : vector<16xf32>
        %get3A_497 = arith.constant 0 : i32
        %get3A_498 = arith.constant 0 : i32
        %get3A_499 = tpu.memref_slice %arg6[%scan3A_158, %get3A_497, %get3A_498] : memref<2x64x256xf32, #tpu.memory_space<vmem>> -> memref<1x64x256xf32, #tpu.memory_space<vmem>>
        %get3A_500 = tpu.memref_squeeze %get3A_499 : memref<1x64x256xf32, #tpu.memory_space<vmem>> -> memref<64x256xf32, #tpu.memory_space<vmem>>
        %get3A_501 = arith.index_cast %scan3A_238 : i32 to index
        %get3A_502 = arith.constant 176 : index
        %get3A_503 = tpu.vector_load %get3A_500[%get3A_501, %get3A_502] {strides = array<i32>} : memref<64x256xf32, #tpu.memory_space<vmem>>, vector<1x16xf32>,
        %get3A_504 = vector.shape_cast %get3A_503 : vector<1x16xf32> to vector<16xf32>
        %get3A_505 = arith.constant 0 : i32
        %get3A_506 = arith.constant 0 : i32
        %get3A_507 = tpu.memref_slice %arg7[%scan3A_159, %get3A_505, %get3A_506] : memref<2x64x256xf32, #tpu.memory_space<vmem>> -> memref<1x64x256xf32, #tpu.memory_space<vmem>>
        %get3A_508 = tpu.memref_squeeze %get3A_507 : memref<1x64x256xf32, #tpu.memory_space<vmem>> -> memref<64x256xf32, #tpu.memory_space<vmem>>
        %get3A_509 = arith.index_cast %scan3A_238 : i32 to index
        %get3A_510 = arith.constant 176 : index
        %get3A_511 = tpu.vector_load %get3A_508[%get3A_509, %get3A_510] {strides = array<i32>} : memref<64x256xf32, #tpu.memory_space<vmem>>, vector<1x16xf32>,
        %get3A_512 = vector.shape_cast %get3A_511 : vector<1x16xf32> to vector<16xf32>
        %add3A_513 = arith.constant 1.000000e+02 : f32
        %add3A_514 = vector.broadcast %add3A_513 : f32 to vector<16xf32>
        %add3A_515 = arith.addf %add3A_514, %get3A_512 : vector<16xf32>
        %sub3A_516 = arith.subf %get3A_504, %get3A_512 : vector<16xf32>
        %select_n3A_517 = arith.select %eq3A_245, %add3A_515, %sub3A_516 : vector<16xf32>
        %mul3A_518 = arith.mulf %select_n3A_517, %select_n3A_517 : vector<16xf32>
        %add3A_519 = arith.addf %add3A_496, %mul3A_518 : vector<16xf32>
        %get3A_520 = arith.constant 0 : i32
        %get3A_521 = arith.constant 0 : i32
        %get3A_522 = tpu.memref_slice %arg6[%scan3A_158, %get3A_520, %get3A_521] : memref<2x64x256xf32, #tpu.memory_space<vmem>> -> memref<1x64x256xf32, #tpu.memory_space<vmem>>
        %get3A_523 = tpu.memref_squeeze %get3A_522 : memref<1x64x256xf32, #tpu.memory_space<vmem>> -> memref<64x256xf32, #tpu.memory_space<vmem>>
        %get3A_524 = arith.index_cast %scan3A_238 : i32 to index
        %get3A_525 = arith.constant 192 : index
        %get3A_526 = tpu.vector_load %get3A_523[%get3A_524, %get3A_525] {strides = array<i32>} : memref<64x256xf32, #tpu.memory_space<vmem>>, vector<1x16xf32>,
        %get3A_527 = vector.shape_cast %get3A_526 : vector<1x16xf32> to vector<16xf32>
        %get3A_528 = arith.constant 0 : i32
        %get3A_529 = arith.constant 0 : i32
        %get3A_530 = tpu.memref_slice %arg7[%scan3A_159, %get3A_528, %get3A_529] : memref<2x64x256xf32, #tpu.memory_space<vmem>> -> memref<1x64x256xf32, #tpu.memory_space<vmem>>
        %get3A_531 = tpu.memref_squeeze %get3A_530 : memref<1x64x256xf32, #tpu.memory_space<vmem>> -> memref<64x256xf32, #tpu.memory_space<vmem>>
        %get3A_532 = arith.index_cast %scan3A_238 : i32 to index
        %get3A_533 = arith.constant 192 : index
        %get3A_534 = tpu.vector_load %get3A_531[%get3A_532, %get3A_533] {strides = array<i32>} : memref<64x256xf32, #tpu.memory_space<vmem>>, vector<1x16xf32>,
        %get3A_535 = vector.shape_cast %get3A_534 : vector<1x16xf32> to vector<16xf32>
        %add3A_536 = arith.constant 1.000000e+02 : f32
        %add3A_537 = vector.broadcast %add3A_536 : f32 to vector<16xf32>
        %add3A_538 = arith.addf %add3A_537, %get3A_535 : vector<16xf32>
        %sub3A_539 = arith.subf %get3A_527, %get3A_535 : vector<16xf32>
        %select_n3A_540 = arith.select %eq3A_245, %add3A_538, %sub3A_539 : vector<16xf32>
        %mul3A_541 = arith.mulf %select_n3A_540, %select_n3A_540 : vector<16xf32>
        %add3A_542 = arith.addf %add3A_519, %mul3A_541 : vector<16xf32>
        %get3A_543 = arith.constant 0 : i32
        %get3A_544 = arith.constant 0 : i32
        %get3A_545 = tpu.memref_slice %arg6[%scan3A_158, %get3A_543, %get3A_544] : memref<2x64x256xf32, #tpu.memory_space<vmem>> -> memref<1x64x256xf32, #tpu.memory_space<vmem>>
        %get3A_546 = tpu.memref_squeeze %get3A_545 : memref<1x64x256xf32, #tpu.memory_space<vmem>> -> memref<64x256xf32, #tpu.memory_space<vmem>>
        %get3A_547 = arith.index_cast %scan3A_238 : i32 to index
        %get3A_548 = arith.constant 208 : index
        %get3A_549 = tpu.vector_load %get3A_546[%get3A_547, %get3A_548] {strides = array<i32>} : memref<64x256xf32, #tpu.memory_space<vmem>>, vector<1x16xf32>,
        %get3A_550 = vector.shape_cast %get3A_549 : vector<1x16xf32> to vector<16xf32>
        %get3A_551 = arith.constant 0 : i32
        %get3A_552 = arith.constant 0 : i32
        %get3A_553 = tpu.memref_slice %arg7[%scan3A_159, %get3A_551, %get3A_552] : memref<2x64x256xf32, #tpu.memory_space<vmem>> -> memref<1x64x256xf32, #tpu.memory_space<vmem>>
        %get3A_554 = tpu.memref_squeeze %get3A_553 : memref<1x64x256xf32, #tpu.memory_space<vmem>> -> memref<64x256xf32, #tpu.memory_space<vmem>>
        %get3A_555 = arith.index_cast %scan3A_238 : i32 to index
        %get3A_556 = arith.constant 208 : index
        %get3A_557 = tpu.vector_load %get3A_554[%get3A_555, %get3A_556] {strides = array<i32>} : memref<64x256xf32, #tpu.memory_space<vmem>>, vector<1x16xf32>,
        %get3A_558 = vector.shape_cast %get3A_557 : vector<1x16xf32> to vector<16xf32>
        %add3A_559 = arith.constant 1.000000e+02 : f32
        %add3A_560 = vector.broadcast %add3A_559 : f32 to vector<16xf32>
        %add3A_561 = arith.addf %add3A_560, %get3A_558 : vector<16xf32>
        %sub3A_562 = arith.subf %get3A_550, %get3A_558 : vector<16xf32>
        %select_n3A_563 = arith.select %eq3A_245, %add3A_561, %sub3A_562 : vector<16xf32>
        %mul3A_564 = arith.mulf %select_n3A_563, %select_n3A_563 : vector<16xf32>
        %add3A_565 = arith.addf %add3A_542, %mul3A_564 : vector<16xf32>
        %get3A_566 = arith.constant 0 : i32
        %get3A_567 = arith.constant 0 : i32
        %get3A_568 = tpu.memref_slice %arg6[%scan3A_158, %get3A_566, %get3A_567] : memref<2x64x256xf32, #tpu.memory_space<vmem>> -> memref<1x64x256xf32, #tpu.memory_space<vmem>>
        %get3A_569 = tpu.memref_squeeze %get3A_568 : memref<1x64x256xf32, #tpu.memory_space<vmem>> -> memref<64x256xf32, #tpu.memory_space<vmem>>
        %get3A_570 = arith.index_cast %scan3A_238 : i32 to index
        %get3A_571 = arith.constant 224 : index
        %get3A_572 = tpu.vector_load %get3A_569[%get3A_570, %get3A_571] {strides = array<i32>} : memref<64x256xf32, #tpu.memory_space<vmem>>, vector<1x16xf32>,
        %get3A_573 = vector.shape_cast %get3A_572 : vector<1x16xf32> to vector<16xf32>
        %get3A_574 = arith.constant 0 : i32
        %get3A_575 = arith.constant 0 : i32
        %get3A_576 = tpu.memref_slice %arg7[%scan3A_159, %get3A_574, %get3A_575] : memref<2x64x256xf32, #tpu.memory_space<vmem>> -> memref<1x64x256xf32, #tpu.memory_space<vmem>>
        %get3A_577 = tpu.memref_squeeze %get3A_576 : memref<1x64x256xf32, #tpu.memory_space<vmem>> -> memref<64x256xf32, #tpu.memory_space<vmem>>
        %get3A_578 = arith.index_cast %scan3A_238 : i32 to index
        %get3A_579 = arith.constant 224 : index
        %get3A_580 = tpu.vector_load %get3A_577[%get3A_578, %get3A_579] {strides = array<i32>} : memref<64x256xf32, #tpu.memory_space<vmem>>, vector<1x16xf32>,
        %get3A_581 = vector.shape_cast %get3A_580 : vector<1x16xf32> to vector<16xf32>
        %add3A_582 = arith.constant 1.000000e+02 : f32
        %add3A_583 = vector.broadcast %add3A_582 : f32 to vector<16xf32>
        %add3A_584 = arith.addf %add3A_583, %get3A_581 : vector<16xf32>
        %sub3A_585 = arith.subf %get3A_573, %get3A_581 : vector<16xf32>
        %select_n3A_586 = arith.select %eq3A_245, %add3A_584, %sub3A_585 : vector<16xf32>
        %mul3A_587 = arith.mulf %select_n3A_586, %select_n3A_586 : vector<16xf32>
        %add3A_588 = arith.addf %add3A_565, %mul3A_587 : vector<16xf32>
        %get3A_589 = arith.constant 0 : i32
        %get3A_590 = arith.constant 0 : i32
        %get3A_591 = tpu.memref_slice %arg6[%scan3A_158, %get3A_589, %get3A_590] : memref<2x64x256xf32, #tpu.memory_space<vmem>> -> memref<1x64x256xf32, #tpu.memory_space<vmem>>
        %get3A_592 = tpu.memref_squeeze %get3A_591 : memref<1x64x256xf32, #tpu.memory_space<vmem>> -> memref<64x256xf32, #tpu.memory_space<vmem>>
        %get3A_593 = arith.index_cast %scan3A_238 : i32 to index
        %get3A_594 = arith.constant 240 : index
        %get3A_595 = tpu.vector_load %get3A_592[%get3A_593, %get3A_594] {strides = array<i32>} : memref<64x256xf32, #tpu.memory_space<vmem>>, vector<1x16xf32>,
        %get3A_596 = vector.shape_cast %get3A_595 : vector<1x16xf32> to vector<16xf32>
        %get3A_597 = arith.constant 0 : i32
        %get3A_598 = arith.constant 0 : i32
        %get3A_599 = tpu.memref_slice %arg7[%scan3A_159, %get3A_597, %get3A_598] : memref<2x64x256xf32, #tpu.memory_space<vmem>> -> memref<1x64x256xf32, #tpu.memory_space<vmem>>
        %get3A_600 = tpu.memref_squeeze %get3A_599 : memref<1x64x256xf32, #tpu.memory_space<vmem>> -> memref<64x256xf32, #tpu.memory_space<vmem>>
        %get3A_601 = arith.index_cast %scan3A_238 : i32 to index
        %get3A_602 = arith.constant 240 : index
        %get3A_603 = tpu.vector_load %get3A_600[%get3A_601, %get3A_602] {strides = array<i32>} : memref<64x256xf32, #tpu.memory_space<vmem>>, vector<1x16xf32>,
        %get3A_604 = vector.shape_cast %get3A_603 : vector<1x16xf32> to vector<16xf32>
        %add3A_605 = arith.constant 1.000000e+02 : f32
        %add3A_606 = vector.broadcast %add3A_605 : f32 to vector<16xf32>
        %add3A_607 = arith.addf %add3A_606, %get3A_604 : vector<16xf32>
        %sub3A_608 = arith.subf %get3A_596, %get3A_604 : vector<16xf32>
        %select_n3A_609 = arith.select %eq3A_245, %add3A_607, %sub3A_608 : vector<16xf32>
        %mul3A_610 = arith.mulf %select_n3A_609, %select_n3A_609 : vector<16xf32>
        %add3A_611 = arith.addf %add3A_588, %mul3A_610 : vector<16xf32>
        scf.yield %add3A_611 : vector<16xf32>
      }
      %scan3A_165 = arith.constant 64 : i32
      %add3A_166 = arith.constant 2 : i32
      %add3A_167 = arith.addi %mul3A_108, %add3A_166 : i32
      %lt3A = arith.constant 64 : i32
      %lt3A_168 = arith.cmpi slt, %add3A_167, %lt3A : i32
      %convert_element_type3A_169 = arith.extui %lt3A_168 : i1 to i32
      %cond3A = arith.constant 0 : i32
      %cond3A_170 = arith.cmpi ne, %convert_element_type3A_169, %cond3A : i32
      scf.if %cond3A_170 {
        %add3A_238 = arith.constant 2 : i32
        %add3A_239 = arith.addi %mul3A_108, %add3A_238 : i32
        %add3A_240 = arith.constant 0 : i32
        %add3A_241 = arith.addi %add3A_240, %add3A_239 : i32
        %dma_start3A_242 = arith.constant 0 : i32
        %dma_start3A_243 = arith.constant 0 : i32
        %dma_start3A_244 = arith.constant 0 : i32
        %dma_start3A_245 = tpu.memref_slice %arg6[%dma_start3A_242, %dma_start3A_243, %dma_start3A_244] : memref<2x64x256xf32, #tpu.memory_space<vmem>> -> memref<1x64x256xf32, #tpu.memory_space<vmem>>
        %dma_start3A_246 = tpu.memref_squeeze %dma_start3A_245 : memref<1x64x256xf32, #tpu.memory_space<vmem>> -> memref<64x256xf32, #tpu.memory_space<vmem>>
        %dma_start3A_247 = arith.constant 0 : i32
        %dma_start3A_248 = tpu.memref_slice %arg2[%add3A_241, %mul3A_2, %dma_start3A_247] : memref<64x2048x278xf32, #tpu.memory_space<hbm>> -> memref<1x64x256xf32, #tpu.memory_space<hbm>>
        %dma_start3A_249 = tpu.memref_squeeze %dma_start3A_248 : memref<1x64x256xf32, #tpu.memory_space<hbm>> -> memref<64x256xf32, #tpu.memory_space<hbm>>
        %dma_start3A_250 = arith.constant 0 : i32
        %dma_start3A_251 = arith.constant 0 : i32
        %dma_start3A_252 = tpu.memref_slice %arg6[%dma_start3A_242, %dma_start3A_250, %dma_start3A_251] : memref<2x64x256xf32, #tpu.memory_space<vmem>> -> memref<1x64x256xf32, #tpu.memory_space<vmem>>
        %dma_start3A_253 = tpu.memref_squeeze %dma_start3A_252 : memref<1x64x256xf32, #tpu.memory_space<vmem>> -> memref<64x256xf32, #tpu.memory_space<vmem>>
        %dma_start3A_254 = arith.constant 0 : i32
        %dma_start3A_255 = tpu.memref_slice %arg2[%add3A_241, %mul3A_2, %dma_start3A_254] : memref<64x2048x278xf32, #tpu.memory_space<hbm>> -> memref<1x64x256xf32, #tpu.memory_space<hbm>>
        %dma_start3A_256 = tpu.memref_squeeze %dma_start3A_255 : memref<1x64x256xf32, #tpu.memory_space<hbm>> -> memref<64x256xf32, #tpu.memory_space<hbm>>
        tpu.enqueue_dma source(%dma_start3A_256 : memref<64x256xf32, #tpu.memory_space<hbm>>) target(%dma_start3A_253 : memref<64x256xf32, #tpu.memory_space<vmem>>) target_semaphore(%arg10 : memref<!tpu.dma_semaphore, #tpu.memory_space<semaphore_mem>>)
        %add3A_257 = arith.constant 0 : i32
        %add3A_258 = arith.addi %add3A_257, %add3A_239 : i32
        %dma_start3A_259 = arith.constant 0 : i32
        %dma_start3A_260 = arith.constant 0 : i32
        %dma_start3A_261 = arith.constant 0 : i32
        %dma_start3A_262 = tpu.memref_slice %arg7[%dma_start3A_259, %dma_start3A_260, %dma_start3A_261] : memref<2x64x256xf32, #tpu.memory_space<vmem>> -> memref<1x64x256xf32, #tpu.memory_space<vmem>>
        %dma_start3A_263 = tpu.memref_squeeze %dma_start3A_262 : memref<1x64x256xf32, #tpu.memory_space<vmem>> -> memref<64x256xf32, #tpu.memory_space<vmem>>
        %dma_start3A_264 = arith.constant 0 : i32
        %dma_start3A_265 = tpu.memref_slice %arg3[%add3A_258, %mul3A_2, %dma_start3A_264] : memref<64x2048x278xf32, #tpu.memory_space<hbm>> -> memref<1x64x256xf32, #tpu.memory_space<hbm>>
        %dma_start3A_266 = tpu.memref_squeeze %dma_start3A_265 : memref<1x64x256xf32, #tpu.memory_space<hbm>> -> memref<64x256xf32, #tpu.memory_space<hbm>>
        %dma_start3A_267 = arith.constant 0 : i32
        %dma_start3A_268 = arith.constant 0 : i32
        %dma_start3A_269 = tpu.memref_slice %arg7[%dma_start3A_259, %dma_start3A_267, %dma_start3A_268] : memref<2x64x256xf32, #tpu.memory_space<vmem>> -> memref<1x64x256xf32, #tpu.memory_space<vmem>>
        %dma_start3A_270 = tpu.memref_squeeze %dma_start3A_269 : memref<1x64x256xf32, #tpu.memory_space<vmem>> -> memref<64x256xf32, #tpu.memory_space<vmem>>
        %dma_start3A_271 = arith.constant 0 : i32
        %dma_start3A_272 = tpu.memref_slice %arg3[%add3A_258, %mul3A_2, %dma_start3A_271] : memref<64x2048x278xf32, #tpu.memory_space<hbm>> -> memref<1x64x256xf32, #tpu.memory_space<hbm>>
        %dma_start3A_273 = tpu.memref_squeeze %dma_start3A_272 : memref<1x64x256xf32, #tpu.memory_space<hbm>> -> memref<64x256xf32, #tpu.memory_space<hbm>>
        tpu.enqueue_dma source(%dma_start3A_273 : memref<64x256xf32, #tpu.memory_space<hbm>>) target(%dma_start3A_270 : memref<64x256xf32, #tpu.memory_space<vmem>>) target_semaphore(%arg12 : memref<!tpu.dma_semaphore, #tpu.memory_space<semaphore_mem>>)
        %add3A_274 = arith.constant 0 : i32
        %add3A_275 = arith.addi %add3A_274, %add3A_239 : i32
        %dma_start3A_276 = arith.constant 0 : i32
        %dma_start3A_277 = arith.constant 0 : i32
        %dma_start3A_278 = tpu.memref_slice %arg8[%dma_start3A_276, %dma_start3A_277] : memref<2x128xf32, #tpu.memory_space<vmem>> -> memref<1x128xf32, #tpu.memory_space<vmem>>
        %dma_start3A_279 = tpu.memref_squeeze %dma_start3A_278 : memref<1x128xf32, #tpu.memory_space<vmem>> -> memref<128xf32, #tpu.memory_space<vmem>>
        %dma_start3A_280 = arith.constant 0 : i32
        %dma_start3A_281 = tpu.memref_slice %arg4[%add3A_275, %add3A, %dma_start3A_280] : memref<64x32x128xf32, #tpu.memory_space<hbm>> -> memref<1x1x128xf32, #tpu.memory_space<hbm>>
        %dma_start3A_282 = tpu.memref_squeeze %dma_start3A_281 : memref<1x1x128xf32, #tpu.memory_space<hbm>> -> memref<128xf32, #tpu.memory_space<hbm>>
        %dma_start3A_283 = arith.constant 0 : i32
        %dma_start3A_284 = tpu.memref_slice %arg8[%dma_start3A_276, %dma_start3A_283] : memref<2x128xf32, #tpu.memory_space<vmem>> -> memref<1x128xf32, #tpu.memory_space<vmem>>
        %dma_start3A_285 = tpu.memref_squeeze %dma_start3A_284 : memref<1x128xf32, #tpu.memory_space<vmem>> -> memref<128xf32, #tpu.memory_space<vmem>>
        %dma_start3A_286 = arith.constant 0 : i32
        %dma_start3A_287 = tpu.memref_slice %arg4[%add3A_275, %add3A, %dma_start3A_286] : memref<64x32x128xf32, #tpu.memory_space<hbm>> -> memref<1x1x128xf32, #tpu.memory_space<hbm>>
        %dma_start3A_288 = tpu.memref_squeeze %dma_start3A_287 : memref<1x1x128xf32, #tpu.memory_space<hbm>> -> memref<128xf32, #tpu.memory_space<hbm>>
        tpu.enqueue_dma source(%dma_start3A_288 : memref<128xf32, #tpu.memory_space<hbm>>) target(%dma_start3A_285 : memref<128xf32, #tpu.memory_space<vmem>>) target_semaphore(%arg14 : memref<!tpu.dma_semaphore, #tpu.memory_space<semaphore_mem>>)
      } else {
      }
      %add3A_171 = arith.constant 1 : i32
      %add3A_172 = arith.addi %mul3A_108, %add3A_171 : i32
      %add3A_173 = arith.constant 0 : i32
      %add3A_174 = arith.addi %add3A_173, %add3A_172 : i32
      %dma_wait3A_175 = arith.constant 1 : i32
      %dma_wait3A_176 = arith.constant 0 : i32
      %dma_wait3A_177 = arith.constant 0 : i32
      %dma_wait3A_178 = tpu.memref_slice %arg6[%dma_wait3A_175, %dma_wait3A_176, %dma_wait3A_177] : memref<2x64x256xf32, #tpu.memory_space<vmem>> -> memref<1x64x256xf32, #tpu.memory_space<vmem>>
      %dma_wait3A_179 = tpu.memref_squeeze %dma_wait3A_178 : memref<1x64x256xf32, #tpu.memory_space<vmem>> -> memref<64x256xf32, #tpu.memory_space<vmem>>
      %dma_wait3A_180 = arith.constant 0 : i32
      %dma_wait3A_181 = tpu.memref_slice %arg2[%add3A_174, %mul3A_2, %dma_wait3A_180] : memref<64x2048x278xf32, #tpu.memory_space<hbm>> -> memref<1x64x256xf32, #tpu.memory_space<hbm>>
      %dma_wait3A_182 = tpu.memref_squeeze %dma_wait3A_181 : memref<1x64x256xf32, #tpu.memory_space<hbm>> -> memref<64x256xf32, #tpu.memory_space<hbm>>
      %dma_wait3A_183 = arith.constant 0 : i32
      %dma_wait3A_184 = arith.constant 0 : i32
      %dma_wait3A_185 = tpu.memref_slice %arg6[%dma_wait3A_175, %dma_wait3A_183, %dma_wait3A_184] : memref<2x64x256xf32, #tpu.memory_space<vmem>> -> memref<1x64x256xf32, #tpu.memory_space<vmem>>
      %dma_wait3A_186 = tpu.memref_squeeze %dma_wait3A_185 : memref<1x64x256xf32, #tpu.memory_space<vmem>> -> memref<64x256xf32, #tpu.memory_space<vmem>>
      %dma_wait3A_187 = arith.constant 0 : i32
      %dma_wait3A_188 = tpu.memref_slice %arg2[%add3A_174, %mul3A_2, %dma_wait3A_187] : memref<64x2048x278xf32, #tpu.memory_space<hbm>> -> memref<1x64x256xf32, #tpu.memory_space<hbm>>
      %dma_wait3A_189 = tpu.memref_squeeze %dma_wait3A_188 : memref<1x64x256xf32, #tpu.memory_space<hbm>> -> memref<64x256xf32, #tpu.memory_space<hbm>>
      tpu.wait_dma2 semaphore(%arg11 : memref<!tpu.dma_semaphore, #tpu.memory_space<semaphore_mem>>) src(%dma_wait3A_189 : memref<64x256xf32, #tpu.memory_space<hbm>>) dst(%dma_wait3A_186 : memref<64x256xf32, #tpu.memory_space<vmem>>)
      %add3A_190 = arith.constant 0 : i32
      %add3A_191 = arith.addi %add3A_190, %add3A_172 : i32
      %dma_wait3A_192 = arith.constant 1 : i32
      %dma_wait3A_193 = arith.constant 0 : i32
      %dma_wait3A_194 = arith.constant 0 : i32
      %dma_wait3A_195 = tpu.memref_slice %arg7[%dma_wait3A_192, %dma_wait3A_193, %dma_wait3A_194] : memref<2x64x256xf32, #tpu.memory_space<vmem>> -> memref<1x64x256xf32, #tpu.memory_space<vmem>>
      %dma_wait3A_196 = tpu.memref_squeeze %dma_wait3A_195 : memref<1x64x256xf32, #tpu.memory_space<vmem>> -> memref<64x256xf32, #tpu.memory_space<vmem>>
      %dma_wait3A_197 = arith.constant 0 : i32
      %dma_wait3A_198 = tpu.memref_slice %arg3[%add3A_191, %mul3A_2, %dma_wait3A_197] : memref<64x2048x278xf32, #tpu.memory_space<hbm>> -> memref<1x64x256xf32, #tpu.memory_space<hbm>>
      %dma_wait3A_199 = tpu.memref_squeeze %dma_wait3A_198 : memref<1x64x256xf32, #tpu.memory_space<hbm>> -> memref<64x256xf32, #tpu.memory_space<hbm>>
      %dma_wait3A_200 = arith.constant 0 : i32
      %dma_wait3A_201 = arith.constant 0 : i32
      %dma_wait3A_202 = tpu.memref_slice %arg7[%dma_wait3A_192, %dma_wait3A_200, %dma_wait3A_201] : memref<2x64x256xf32, #tpu.memory_space<vmem>> -> memref<1x64x256xf32, #tpu.memory_space<vmem>>
      %dma_wait3A_203 = tpu.memref_squeeze %dma_wait3A_202 : memref<1x64x256xf32, #tpu.memory_space<vmem>> -> memref<64x256xf32, #tpu.memory_space<vmem>>
      %dma_wait3A_204 = arith.constant 0 : i32
      %dma_wait3A_205 = tpu.memref_slice %arg3[%add3A_191, %mul3A_2, %dma_wait3A_204] : memref<64x2048x278xf32, #tpu.memory_space<hbm>> -> memref<1x64x256xf32, #tpu.memory_space<hbm>>
      %dma_wait3A_206 = tpu.memref_squeeze %dma_wait3A_205 : memref<1x64x256xf32, #tpu.memory_space<hbm>> -> memref<64x256xf32, #tpu.memory_space<hbm>>
      tpu.wait_dma2 semaphore(%arg13 : memref<!tpu.dma_semaphore, #tpu.memory_space<semaphore_mem>>) src(%dma_wait3A_206 : memref<64x256xf32, #tpu.memory_space<hbm>>) dst(%dma_wait3A_203 : memref<64x256xf32, #tpu.memory_space<vmem>>)
      %add3A_207 = arith.constant 0 : i32
      %add3A_208 = arith.addi %add3A_207, %add3A_172 : i32
      %dma_wait3A_209 = arith.constant 1 : i32
      %dma_wait3A_210 = arith.constant 0 : i32
      %dma_wait3A_211 = tpu.memref_slice %arg8[%dma_wait3A_209, %dma_wait3A_210] : memref<2x128xf32, #tpu.memory_space<vmem>> -> memref<1x128xf32, #tpu.memory_space<vmem>>
      %dma_wait3A_212 = tpu.memref_squeeze %dma_wait3A_211 : memref<1x128xf32, #tpu.memory_space<vmem>> -> memref<128xf32, #tpu.memory_space<vmem>>
      %dma_wait3A_213 = arith.constant 0 : i32
      %dma_wait3A_214 = tpu.memref_slice %arg4[%add3A_208, %add3A, %dma_wait3A_213] : memref<64x32x128xf32, #tpu.memory_space<hbm>> -> memref<1x1x128xf32, #tpu.memory_space<hbm>>
      %dma_wait3A_215 = tpu.memref_squeeze %dma_wait3A_214 : memref<1x1x128xf32, #tpu.memory_space<hbm>> -> memref<128xf32, #tpu.memory_space<hbm>>
      %dma_wait3A_216 = arith.constant 0 : i32
      %dma_wait3A_217 = tpu.memref_slice %arg8[%dma_wait3A_209, %dma_wait3A_216] : memref<2x128xf32, #tpu.memory_space<vmem>> -> memref<1x128xf32, #tpu.memory_space<vmem>>
      %dma_wait3A_218 = tpu.memref_squeeze %dma_wait3A_217 : memref<1x128xf32, #tpu.memory_space<vmem>> -> memref<128xf32, #tpu.memory_space<vmem>>
      %dma_wait3A_219 = arith.constant 0 : i32
      %dma_wait3A_220 = tpu.memref_slice %arg4[%add3A_208, %add3A, %dma_wait3A_219] : memref<64x32x128xf32, #tpu.memory_space<hbm>> -> memref<1x1x128xf32, #tpu.memory_space<hbm>>
      %dma_wait3A_221 = tpu.memref_squeeze %dma_wait3A_220 : memref<1x1x128xf32, #tpu.memory_space<hbm>> -> memref<128xf32, #tpu.memory_space<hbm>>
      tpu.wait_dma2 semaphore(%arg15 : memref<!tpu.dma_semaphore, #tpu.memory_space<semaphore_mem>>) src(%dma_wait3A_221 : memref<128xf32, #tpu.memory_space<hbm>>) dst(%dma_wait3A_218 : memref<128xf32, #tpu.memory_space<vmem>>)
      %scan3A_222 = arith.constant 1 : i32
      %scan3A_223 = arith.constant 1 : i32
      %scan3A_224 = arith.constant 1 : i32
      %scan3A_225 = arith.constant 0 : i32
      %scan3A_226 = arith.constant 64 : i32
      %scan3A_227 = arith.addi %scan3A_225, %scan3A_226 : i32
      %scan3A_228 = arith.constant 1 : i32
      %scan3A_229 = scf.for %scan3A_238 = %scan3A_225 to %scan3A_227 step %scan3A_228 iter_args(%scan3A_239 = %scan3A_164) -> (vector<16xf32>)  : i32 {
        %get3A = arith.constant 0 : i32
        %get3A_240 = tpu.memref_slice %arg8[%scan3A_222, %get3A] : memref<2x128xf32, #tpu.memory_space<vmem>> -> memref<1x128xf32, #tpu.memory_space<vmem>>
        %get3A_241 = tpu.memref_squeeze %get3A_240 : memref<1x128xf32, #tpu.memory_space<vmem>> -> memref<128xf32, #tpu.memory_space<vmem>>
        %get3A_242 = arith.index_cast %scan3A_238 : i32 to index
        %get3A_243 = tpu.vector_load %get3A_241[%get3A_242] {strides = array<i32>} : memref<128xf32, #tpu.memory_space<vmem>>, vector<16xf32>,
        %get3A_244 = vector.shape_cast %get3A_243 : vector<16xf32> to vector<16xf32>
        %slice3A = vector.extract_strided_slice %get3A_244 {offsets = [0], sizes = [1], strides = [1]} : vector<16xf32> to vector<1xf32>
        %squeeze3A = vector.extract %slice3A[0] : f32 from vector<1xf32>
        %eq3A = arith.constant 1.000000e+00 : f32
        %eq3A_245 = arith.cmpf oeq, %squeeze3A, %eq3A : f32
        %get3A_246 = arith.constant 0 : i32
        %get3A_247 = arith.constant 0 : i32
        %get3A_248 = tpu.memref_slice %arg6[%scan3A_223, %get3A_246, %get3A_247] : memref<2x64x256xf32, #tpu.memory_space<vmem>> -> memref<1x64x256xf32, #tpu.memory_space<vmem>>
        %get3A_249 = tpu.memref_squeeze %get3A_248 : memref<1x64x256xf32, #tpu.memory_space<vmem>> -> memref<64x256xf32, #tpu.memory_space<vmem>>
        %get3A_250 = arith.index_cast %scan3A_238 : i32 to index
        %get3A_251 = arith.constant 0 : index
        %get3A_252 = tpu.vector_load %get3A_249[%get3A_250, %get3A_251] {strides = array<i32>} : memref<64x256xf32, #tpu.memory_space<vmem>>, vector<1x16xf32>,
        %get3A_253 = vector.shape_cast %get3A_252 : vector<1x16xf32> to vector<16xf32>
        %get3A_254 = arith.constant 0 : i32
        %get3A_255 = arith.constant 0 : i32
        %get3A_256 = tpu.memref_slice %arg7[%scan3A_224, %get3A_254, %get3A_255] : memref<2x64x256xf32, #tpu.memory_space<vmem>> -> memref<1x64x256xf32, #tpu.memory_space<vmem>>
        %get3A_257 = tpu.memref_squeeze %get3A_256 : memref<1x64x256xf32, #tpu.memory_space<vmem>> -> memref<64x256xf32, #tpu.memory_space<vmem>>
        %get3A_258 = arith.index_cast %scan3A_238 : i32 to index
        %get3A_259 = arith.constant 0 : index
        %get3A_260 = tpu.vector_load %get3A_257[%get3A_258, %get3A_259] {strides = array<i32>} : memref<64x256xf32, #tpu.memory_space<vmem>>, vector<1x16xf32>,
        %get3A_261 = vector.shape_cast %get3A_260 : vector<1x16xf32> to vector<16xf32>
        %add3A_262 = arith.constant 1.000000e+02 : f32
        %add3A_263 = vector.broadcast %add3A_262 : f32 to vector<16xf32>
        %add3A_264 = arith.addf %add3A_263, %get3A_261 : vector<16xf32>
        %sub3A = arith.subf %get3A_253, %get3A_261 : vector<16xf32>
        %select_n3A = arith.select %eq3A_245, %add3A_264, %sub3A : vector<16xf32>
        %mul3A_265 = arith.mulf %select_n3A, %select_n3A : vector<16xf32>
        %add3A_266 = arith.addf %scan3A_239, %mul3A_265 : vector<16xf32>
        %get3A_267 = arith.constant 0 : i32
        %get3A_268 = arith.constant 0 : i32
        %get3A_269 = tpu.memref_slice %arg6[%scan3A_223, %get3A_267, %get3A_268] : memref<2x64x256xf32, #tpu.memory_space<vmem>> -> memref<1x64x256xf32, #tpu.memory_space<vmem>>
        %get3A_270 = tpu.memref_squeeze %get3A_269 : memref<1x64x256xf32, #tpu.memory_space<vmem>> -> memref<64x256xf32, #tpu.memory_space<vmem>>
        %get3A_271 = arith.index_cast %scan3A_238 : i32 to index
        %get3A_272 = arith.constant 16 : index
        %get3A_273 = tpu.vector_load %get3A_270[%get3A_271, %get3A_272] {strides = array<i32>} : memref<64x256xf32, #tpu.memory_space<vmem>>, vector<1x16xf32>,
        %get3A_274 = vector.shape_cast %get3A_273 : vector<1x16xf32> to vector<16xf32>
        %get3A_275 = arith.constant 0 : i32
        %get3A_276 = arith.constant 0 : i32
        %get3A_277 = tpu.memref_slice %arg7[%scan3A_224, %get3A_275, %get3A_276] : memref<2x64x256xf32, #tpu.memory_space<vmem>> -> memref<1x64x256xf32, #tpu.memory_space<vmem>>
        %get3A_278 = tpu.memref_squeeze %get3A_277 : memref<1x64x256xf32, #tpu.memory_space<vmem>> -> memref<64x256xf32, #tpu.memory_space<vmem>>
        %get3A_279 = arith.index_cast %scan3A_238 : i32 to index
        %get3A_280 = arith.constant 16 : index
        %get3A_281 = tpu.vector_load %get3A_278[%get3A_279, %get3A_280] {strides = array<i32>} : memref<64x256xf32, #tpu.memory_space<vmem>>, vector<1x16xf32>,
        %get3A_282 = vector.shape_cast %get3A_281 : vector<1x16xf32> to vector<16xf32>
        %add3A_283 = arith.constant 1.000000e+02 : f32
        %add3A_284 = vector.broadcast %add3A_283 : f32 to vector<16xf32>
        %add3A_285 = arith.addf %add3A_284, %get3A_282 : vector<16xf32>
        %sub3A_286 = arith.subf %get3A_274, %get3A_282 : vector<16xf32>
        %select_n3A_287 = arith.select %eq3A_245, %add3A_285, %sub3A_286 : vector<16xf32>
        %mul3A_288 = arith.mulf %select_n3A_287, %select_n3A_287 : vector<16xf32>
        %add3A_289 = arith.addf %add3A_266, %mul3A_288 : vector<16xf32>
        %get3A_290 = arith.constant 0 : i32
        %get3A_291 = arith.constant 0 : i32
        %get3A_292 = tpu.memref_slice %arg6[%scan3A_223, %get3A_290, %get3A_291] : memref<2x64x256xf32, #tpu.memory_space<vmem>> -> memref<1x64x256xf32, #tpu.memory_space<vmem>>
        %get3A_293 = tpu.memref_squeeze %get3A_292 : memref<1x64x256xf32, #tpu.memory_space<vmem>> -> memref<64x256xf32, #tpu.memory_space<vmem>>
        %get3A_294 = arith.index_cast %scan3A_238 : i32 to index
        %get3A_295 = arith.constant 32 : index
        %get3A_296 = tpu.vector_load %get3A_293[%get3A_294, %get3A_295] {strides = array<i32>} : memref<64x256xf32, #tpu.memory_space<vmem>>, vector<1x16xf32>,
        %get3A_297 = vector.shape_cast %get3A_296 : vector<1x16xf32> to vector<16xf32>
        %get3A_298 = arith.constant 0 : i32
        %get3A_299 = arith.constant 0 : i32
        %get3A_300 = tpu.memref_slice %arg7[%scan3A_224, %get3A_298, %get3A_299] : memref<2x64x256xf32, #tpu.memory_space<vmem>> -> memref<1x64x256xf32, #tpu.memory_space<vmem>>
        %get3A_301 = tpu.memref_squeeze %get3A_300 : memref<1x64x256xf32, #tpu.memory_space<vmem>> -> memref<64x256xf32, #tpu.memory_space<vmem>>
        %get3A_302 = arith.index_cast %scan3A_238 : i32 to index
        %get3A_303 = arith.constant 32 : index
        %get3A_304 = tpu.vector_load %get3A_301[%get3A_302, %get3A_303] {strides = array<i32>} : memref<64x256xf32, #tpu.memory_space<vmem>>, vector<1x16xf32>,
        %get3A_305 = vector.shape_cast %get3A_304 : vector<1x16xf32> to vector<16xf32>
        %add3A_306 = arith.constant 1.000000e+02 : f32
        %add3A_307 = vector.broadcast %add3A_306 : f32 to vector<16xf32>
        %add3A_308 = arith.addf %add3A_307, %get3A_305 : vector<16xf32>
        %sub3A_309 = arith.subf %get3A_297, %get3A_305 : vector<16xf32>
        %select_n3A_310 = arith.select %eq3A_245, %add3A_308, %sub3A_309 : vector<16xf32>
        %mul3A_311 = arith.mulf %select_n3A_310, %select_n3A_310 : vector<16xf32>
        %add3A_312 = arith.addf %add3A_289, %mul3A_311 : vector<16xf32>
        %get3A_313 = arith.constant 0 : i32
        %get3A_314 = arith.constant 0 : i32
        %get3A_315 = tpu.memref_slice %arg6[%scan3A_223, %get3A_313, %get3A_314] : memref<2x64x256xf32, #tpu.memory_space<vmem>> -> memref<1x64x256xf32, #tpu.memory_space<vmem>>
        %get3A_316 = tpu.memref_squeeze %get3A_315 : memref<1x64x256xf32, #tpu.memory_space<vmem>> -> memref<64x256xf32, #tpu.memory_space<vmem>>
        %get3A_317 = arith.index_cast %scan3A_238 : i32 to index
        %get3A_318 = arith.constant 48 : index
        %get3A_319 = tpu.vector_load %get3A_316[%get3A_317, %get3A_318] {strides = array<i32>} : memref<64x256xf32, #tpu.memory_space<vmem>>, vector<1x16xf32>,
        %get3A_320 = vector.shape_cast %get3A_319 : vector<1x16xf32> to vector<16xf32>
        %get3A_321 = arith.constant 0 : i32
        %get3A_322 = arith.constant 0 : i32
        %get3A_323 = tpu.memref_slice %arg7[%scan3A_224, %get3A_321, %get3A_322] : memref<2x64x256xf32, #tpu.memory_space<vmem>> -> memref<1x64x256xf32, #tpu.memory_space<vmem>>
        %get3A_324 = tpu.memref_squeeze %get3A_323 : memref<1x64x256xf32, #tpu.memory_space<vmem>> -> memref<64x256xf32, #tpu.memory_space<vmem>>
        %get3A_325 = arith.index_cast %scan3A_238 : i32 to index
        %get3A_326 = arith.constant 48 : index
        %get3A_327 = tpu.vector_load %get3A_324[%get3A_325, %get3A_326] {strides = array<i32>} : memref<64x256xf32, #tpu.memory_space<vmem>>, vector<1x16xf32>,
        %get3A_328 = vector.shape_cast %get3A_327 : vector<1x16xf32> to vector<16xf32>
        %add3A_329 = arith.constant 1.000000e+02 : f32
        %add3A_330 = vector.broadcast %add3A_329 : f32 to vector<16xf32>
        %add3A_331 = arith.addf %add3A_330, %get3A_328 : vector<16xf32>
        %sub3A_332 = arith.subf %get3A_320, %get3A_328 : vector<16xf32>
        %select_n3A_333 = arith.select %eq3A_245, %add3A_331, %sub3A_332 : vector<16xf32>
        %mul3A_334 = arith.mulf %select_n3A_333, %select_n3A_333 : vector<16xf32>
        %add3A_335 = arith.addf %add3A_312, %mul3A_334 : vector<16xf32>
        %get3A_336 = arith.constant 0 : i32
        %get3A_337 = arith.constant 0 : i32
        %get3A_338 = tpu.memref_slice %arg6[%scan3A_223, %get3A_336, %get3A_337] : memref<2x64x256xf32, #tpu.memory_space<vmem>> -> memref<1x64x256xf32, #tpu.memory_space<vmem>>
        %get3A_339 = tpu.memref_squeeze %get3A_338 : memref<1x64x256xf32, #tpu.memory_space<vmem>> -> memref<64x256xf32, #tpu.memory_space<vmem>>
        %get3A_340 = arith.index_cast %scan3A_238 : i32 to index
        %get3A_341 = arith.constant 64 : index
        %get3A_342 = tpu.vector_load %get3A_339[%get3A_340, %get3A_341] {strides = array<i32>} : memref<64x256xf32, #tpu.memory_space<vmem>>, vector<1x16xf32>,
        %get3A_343 = vector.shape_cast %get3A_342 : vector<1x16xf32> to vector<16xf32>
        %get3A_344 = arith.constant 0 : i32
        %get3A_345 = arith.constant 0 : i32
        %get3A_346 = tpu.memref_slice %arg7[%scan3A_224, %get3A_344, %get3A_345] : memref<2x64x256xf32, #tpu.memory_space<vmem>> -> memref<1x64x256xf32, #tpu.memory_space<vmem>>
        %get3A_347 = tpu.memref_squeeze %get3A_346 : memref<1x64x256xf32, #tpu.memory_space<vmem>> -> memref<64x256xf32, #tpu.memory_space<vmem>>
        %get3A_348 = arith.index_cast %scan3A_238 : i32 to index
        %get3A_349 = arith.constant 64 : index
        %get3A_350 = tpu.vector_load %get3A_347[%get3A_348, %get3A_349] {strides = array<i32>} : memref<64x256xf32, #tpu.memory_space<vmem>>, vector<1x16xf32>,
        %get3A_351 = vector.shape_cast %get3A_350 : vector<1x16xf32> to vector<16xf32>
        %add3A_352 = arith.constant 1.000000e+02 : f32
        %add3A_353 = vector.broadcast %add3A_352 : f32 to vector<16xf32>
        %add3A_354 = arith.addf %add3A_353, %get3A_351 : vector<16xf32>
        %sub3A_355 = arith.subf %get3A_343, %get3A_351 : vector<16xf32>
        %select_n3A_356 = arith.select %eq3A_245, %add3A_354, %sub3A_355 : vector<16xf32>
        %mul3A_357 = arith.mulf %select_n3A_356, %select_n3A_356 : vector<16xf32>
        %add3A_358 = arith.addf %add3A_335, %mul3A_357 : vector<16xf32>
        %get3A_359 = arith.constant 0 : i32
        %get3A_360 = arith.constant 0 : i32
        %get3A_361 = tpu.memref_slice %arg6[%scan3A_223, %get3A_359, %get3A_360] : memref<2x64x256xf32, #tpu.memory_space<vmem>> -> memref<1x64x256xf32, #tpu.memory_space<vmem>>
        %get3A_362 = tpu.memref_squeeze %get3A_361 : memref<1x64x256xf32, #tpu.memory_space<vmem>> -> memref<64x256xf32, #tpu.memory_space<vmem>>
        %get3A_363 = arith.index_cast %scan3A_238 : i32 to index
        %get3A_364 = arith.constant 80 : index
        %get3A_365 = tpu.vector_load %get3A_362[%get3A_363, %get3A_364] {strides = array<i32>} : memref<64x256xf32, #tpu.memory_space<vmem>>, vector<1x16xf32>,
        %get3A_366 = vector.shape_cast %get3A_365 : vector<1x16xf32> to vector<16xf32>
        %get3A_367 = arith.constant 0 : i32
        %get3A_368 = arith.constant 0 : i32
        %get3A_369 = tpu.memref_slice %arg7[%scan3A_224, %get3A_367, %get3A_368] : memref<2x64x256xf32, #tpu.memory_space<vmem>> -> memref<1x64x256xf32, #tpu.memory_space<vmem>>
        %get3A_370 = tpu.memref_squeeze %get3A_369 : memref<1x64x256xf32, #tpu.memory_space<vmem>> -> memref<64x256xf32, #tpu.memory_space<vmem>>
        %get3A_371 = arith.index_cast %scan3A_238 : i32 to index
        %get3A_372 = arith.constant 80 : index
        %get3A_373 = tpu.vector_load %get3A_370[%get3A_371, %get3A_372] {strides = array<i32>} : memref<64x256xf32, #tpu.memory_space<vmem>>, vector<1x16xf32>,
        %get3A_374 = vector.shape_cast %get3A_373 : vector<1x16xf32> to vector<16xf32>
        %add3A_375 = arith.constant 1.000000e+02 : f32
        %add3A_376 = vector.broadcast %add3A_375 : f32 to vector<16xf32>
        %add3A_377 = arith.addf %add3A_376, %get3A_374 : vector<16xf32>
        %sub3A_378 = arith.subf %get3A_366, %get3A_374 : vector<16xf32>
        %select_n3A_379 = arith.select %eq3A_245, %add3A_377, %sub3A_378 : vector<16xf32>
        %mul3A_380 = arith.mulf %select_n3A_379, %select_n3A_379 : vector<16xf32>
        %add3A_381 = arith.addf %add3A_358, %mul3A_380 : vector<16xf32>
        %get3A_382 = arith.constant 0 : i32
        %get3A_383 = arith.constant 0 : i32
        %get3A_384 = tpu.memref_slice %arg6[%scan3A_223, %get3A_382, %get3A_383] : memref<2x64x256xf32, #tpu.memory_space<vmem>> -> memref<1x64x256xf32, #tpu.memory_space<vmem>>
        %get3A_385 = tpu.memref_squeeze %get3A_384 : memref<1x64x256xf32, #tpu.memory_space<vmem>> -> memref<64x256xf32, #tpu.memory_space<vmem>>
        %get3A_386 = arith.index_cast %scan3A_238 : i32 to index
        %get3A_387 = arith.constant 96 : index
        %get3A_388 = tpu.vector_load %get3A_385[%get3A_386, %get3A_387] {strides = array<i32>} : memref<64x256xf32, #tpu.memory_space<vmem>>, vector<1x16xf32>,
        %get3A_389 = vector.shape_cast %get3A_388 : vector<1x16xf32> to vector<16xf32>
        %get3A_390 = arith.constant 0 : i32
        %get3A_391 = arith.constant 0 : i32
        %get3A_392 = tpu.memref_slice %arg7[%scan3A_224, %get3A_390, %get3A_391] : memref<2x64x256xf32, #tpu.memory_space<vmem>> -> memref<1x64x256xf32, #tpu.memory_space<vmem>>
        %get3A_393 = tpu.memref_squeeze %get3A_392 : memref<1x64x256xf32, #tpu.memory_space<vmem>> -> memref<64x256xf32, #tpu.memory_space<vmem>>
        %get3A_394 = arith.index_cast %scan3A_238 : i32 to index
        %get3A_395 = arith.constant 96 : index
        %get3A_396 = tpu.vector_load %get3A_393[%get3A_394, %get3A_395] {strides = array<i32>} : memref<64x256xf32, #tpu.memory_space<vmem>>, vector<1x16xf32>,
        %get3A_397 = vector.shape_cast %get3A_396 : vector<1x16xf32> to vector<16xf32>
        %add3A_398 = arith.constant 1.000000e+02 : f32
        %add3A_399 = vector.broadcast %add3A_398 : f32 to vector<16xf32>
        %add3A_400 = arith.addf %add3A_399, %get3A_397 : vector<16xf32>
        %sub3A_401 = arith.subf %get3A_389, %get3A_397 : vector<16xf32>
        %select_n3A_402 = arith.select %eq3A_245, %add3A_400, %sub3A_401 : vector<16xf32>
        %mul3A_403 = arith.mulf %select_n3A_402, %select_n3A_402 : vector<16xf32>
        %add3A_404 = arith.addf %add3A_381, %mul3A_403 : vector<16xf32>
        %get3A_405 = arith.constant 0 : i32
        %get3A_406 = arith.constant 0 : i32
        %get3A_407 = tpu.memref_slice %arg6[%scan3A_223, %get3A_405, %get3A_406] : memref<2x64x256xf32, #tpu.memory_space<vmem>> -> memref<1x64x256xf32, #tpu.memory_space<vmem>>
        %get3A_408 = tpu.memref_squeeze %get3A_407 : memref<1x64x256xf32, #tpu.memory_space<vmem>> -> memref<64x256xf32, #tpu.memory_space<vmem>>
        %get3A_409 = arith.index_cast %scan3A_238 : i32 to index
        %get3A_410 = arith.constant 112 : index
        %get3A_411 = tpu.vector_load %get3A_408[%get3A_409, %get3A_410] {strides = array<i32>} : memref<64x256xf32, #tpu.memory_space<vmem>>, vector<1x16xf32>,
        %get3A_412 = vector.shape_cast %get3A_411 : vector<1x16xf32> to vector<16xf32>
        %get3A_413 = arith.constant 0 : i32
        %get3A_414 = arith.constant 0 : i32
        %get3A_415 = tpu.memref_slice %arg7[%scan3A_224, %get3A_413, %get3A_414] : memref<2x64x256xf32, #tpu.memory_space<vmem>> -> memref<1x64x256xf32, #tpu.memory_space<vmem>>
        %get3A_416 = tpu.memref_squeeze %get3A_415 : memref<1x64x256xf32, #tpu.memory_space<vmem>> -> memref<64x256xf32, #tpu.memory_space<vmem>>
        %get3A_417 = arith.index_cast %scan3A_238 : i32 to index
        %get3A_418 = arith.constant 112 : index
        %get3A_419 = tpu.vector_load %get3A_416[%get3A_417, %get3A_418] {strides = array<i32>} : memref<64x256xf32, #tpu.memory_space<vmem>>, vector<1x16xf32>,
        %get3A_420 = vector.shape_cast %get3A_419 : vector<1x16xf32> to vector<16xf32>
        %add3A_421 = arith.constant 1.000000e+02 : f32
        %add3A_422 = vector.broadcast %add3A_421 : f32 to vector<16xf32>
        %add3A_423 = arith.addf %add3A_422, %get3A_420 : vector<16xf32>
        %sub3A_424 = arith.subf %get3A_412, %get3A_420 : vector<16xf32>
        %select_n3A_425 = arith.select %eq3A_245, %add3A_423, %sub3A_424 : vector<16xf32>
        %mul3A_426 = arith.mulf %select_n3A_425, %select_n3A_425 : vector<16xf32>
        %add3A_427 = arith.addf %add3A_404, %mul3A_426 : vector<16xf32>
        %get3A_428 = arith.constant 0 : i32
        %get3A_429 = arith.constant 0 : i32
        %get3A_430 = tpu.memref_slice %arg6[%scan3A_223, %get3A_428, %get3A_429] : memref<2x64x256xf32, #tpu.memory_space<vmem>> -> memref<1x64x256xf32, #tpu.memory_space<vmem>>
        %get3A_431 = tpu.memref_squeeze %get3A_430 : memref<1x64x256xf32, #tpu.memory_space<vmem>> -> memref<64x256xf32, #tpu.memory_space<vmem>>
        %get3A_432 = arith.index_cast %scan3A_238 : i32 to index
        %get3A_433 = arith.constant 128 : index
        %get3A_434 = tpu.vector_load %get3A_431[%get3A_432, %get3A_433] {strides = array<i32>} : memref<64x256xf32, #tpu.memory_space<vmem>>, vector<1x16xf32>,
        %get3A_435 = vector.shape_cast %get3A_434 : vector<1x16xf32> to vector<16xf32>
        %get3A_436 = arith.constant 0 : i32
        %get3A_437 = arith.constant 0 : i32
        %get3A_438 = tpu.memref_slice %arg7[%scan3A_224, %get3A_436, %get3A_437] : memref<2x64x256xf32, #tpu.memory_space<vmem>> -> memref<1x64x256xf32, #tpu.memory_space<vmem>>
        %get3A_439 = tpu.memref_squeeze %get3A_438 : memref<1x64x256xf32, #tpu.memory_space<vmem>> -> memref<64x256xf32, #tpu.memory_space<vmem>>
        %get3A_440 = arith.index_cast %scan3A_238 : i32 to index
        %get3A_441 = arith.constant 128 : index
        %get3A_442 = tpu.vector_load %get3A_439[%get3A_440, %get3A_441] {strides = array<i32>} : memref<64x256xf32, #tpu.memory_space<vmem>>, vector<1x16xf32>,
        %get3A_443 = vector.shape_cast %get3A_442 : vector<1x16xf32> to vector<16xf32>
        %add3A_444 = arith.constant 1.000000e+02 : f32
        %add3A_445 = vector.broadcast %add3A_444 : f32 to vector<16xf32>
        %add3A_446 = arith.addf %add3A_445, %get3A_443 : vector<16xf32>
        %sub3A_447 = arith.subf %get3A_435, %get3A_443 : vector<16xf32>
        %select_n3A_448 = arith.select %eq3A_245, %add3A_446, %sub3A_447 : vector<16xf32>
        %mul3A_449 = arith.mulf %select_n3A_448, %select_n3A_448 : vector<16xf32>
        %add3A_450 = arith.addf %add3A_427, %mul3A_449 : vector<16xf32>
        %get3A_451 = arith.constant 0 : i32
        %get3A_452 = arith.constant 0 : i32
        %get3A_453 = tpu.memref_slice %arg6[%scan3A_223, %get3A_451, %get3A_452] : memref<2x64x256xf32, #tpu.memory_space<vmem>> -> memref<1x64x256xf32, #tpu.memory_space<vmem>>
        %get3A_454 = tpu.memref_squeeze %get3A_453 : memref<1x64x256xf32, #tpu.memory_space<vmem>> -> memref<64x256xf32, #tpu.memory_space<vmem>>
        %get3A_455 = arith.index_cast %scan3A_238 : i32 to index
        %get3A_456 = arith.constant 144 : index
        %get3A_457 = tpu.vector_load %get3A_454[%get3A_455, %get3A_456] {strides = array<i32>} : memref<64x256xf32, #tpu.memory_space<vmem>>, vector<1x16xf32>,
        %get3A_458 = vector.shape_cast %get3A_457 : vector<1x16xf32> to vector<16xf32>
        %get3A_459 = arith.constant 0 : i32
        %get3A_460 = arith.constant 0 : i32
        %get3A_461 = tpu.memref_slice %arg7[%scan3A_224, %get3A_459, %get3A_460] : memref<2x64x256xf32, #tpu.memory_space<vmem>> -> memref<1x64x256xf32, #tpu.memory_space<vmem>>
        %get3A_462 = tpu.memref_squeeze %get3A_461 : memref<1x64x256xf32, #tpu.memory_space<vmem>> -> memref<64x256xf32, #tpu.memory_space<vmem>>
        %get3A_463 = arith.index_cast %scan3A_238 : i32 to index
        %get3A_464 = arith.constant 144 : index
        %get3A_465 = tpu.vector_load %get3A_462[%get3A_463, %get3A_464] {strides = array<i32>} : memref<64x256xf32, #tpu.memory_space<vmem>>, vector<1x16xf32>,
        %get3A_466 = vector.shape_cast %get3A_465 : vector<1x16xf32> to vector<16xf32>
        %add3A_467 = arith.constant 1.000000e+02 : f32
        %add3A_468 = vector.broadcast %add3A_467 : f32 to vector<16xf32>
        %add3A_469 = arith.addf %add3A_468, %get3A_466 : vector<16xf32>
        %sub3A_470 = arith.subf %get3A_458, %get3A_466 : vector<16xf32>
        %select_n3A_471 = arith.select %eq3A_245, %add3A_469, %sub3A_470 : vector<16xf32>
        %mul3A_472 = arith.mulf %select_n3A_471, %select_n3A_471 : vector<16xf32>
        %add3A_473 = arith.addf %add3A_450, %mul3A_472 : vector<16xf32>
        %get3A_474 = arith.constant 0 : i32
        %get3A_475 = arith.constant 0 : i32
        %get3A_476 = tpu.memref_slice %arg6[%scan3A_223, %get3A_474, %get3A_475] : memref<2x64x256xf32, #tpu.memory_space<vmem>> -> memref<1x64x256xf32, #tpu.memory_space<vmem>>
        %get3A_477 = tpu.memref_squeeze %get3A_476 : memref<1x64x256xf32, #tpu.memory_space<vmem>> -> memref<64x256xf32, #tpu.memory_space<vmem>>
        %get3A_478 = arith.index_cast %scan3A_238 : i32 to index
        %get3A_479 = arith.constant 160 : index
        %get3A_480 = tpu.vector_load %get3A_477[%get3A_478, %get3A_479] {strides = array<i32>} : memref<64x256xf32, #tpu.memory_space<vmem>>, vector<1x16xf32>,
        %get3A_481 = vector.shape_cast %get3A_480 : vector<1x16xf32> to vector<16xf32>
        %get3A_482 = arith.constant 0 : i32
        %get3A_483 = arith.constant 0 : i32
        %get3A_484 = tpu.memref_slice %arg7[%scan3A_224, %get3A_482, %get3A_483] : memref<2x64x256xf32, #tpu.memory_space<vmem>> -> memref<1x64x256xf32, #tpu.memory_space<vmem>>
        %get3A_485 = tpu.memref_squeeze %get3A_484 : memref<1x64x256xf32, #tpu.memory_space<vmem>> -> memref<64x256xf32, #tpu.memory_space<vmem>>
        %get3A_486 = arith.index_cast %scan3A_238 : i32 to index
        %get3A_487 = arith.constant 160 : index
        %get3A_488 = tpu.vector_load %get3A_485[%get3A_486, %get3A_487] {strides = array<i32>} : memref<64x256xf32, #tpu.memory_space<vmem>>, vector<1x16xf32>,
        %get3A_489 = vector.shape_cast %get3A_488 : vector<1x16xf32> to vector<16xf32>
        %add3A_490 = arith.constant 1.000000e+02 : f32
        %add3A_491 = vector.broadcast %add3A_490 : f32 to vector<16xf32>
        %add3A_492 = arith.addf %add3A_491, %get3A_489 : vector<16xf32>
        %sub3A_493 = arith.subf %get3A_481, %get3A_489 : vector<16xf32>
        %select_n3A_494 = arith.select %eq3A_245, %add3A_492, %sub3A_493 : vector<16xf32>
        %mul3A_495 = arith.mulf %select_n3A_494, %select_n3A_494 : vector<16xf32>
        %add3A_496 = arith.addf %add3A_473, %mul3A_495 : vector<16xf32>
        %get3A_497 = arith.constant 0 : i32
        %get3A_498 = arith.constant 0 : i32
        %get3A_499 = tpu.memref_slice %arg6[%scan3A_223, %get3A_497, %get3A_498] : memref<2x64x256xf32, #tpu.memory_space<vmem>> -> memref<1x64x256xf32, #tpu.memory_space<vmem>>
        %get3A_500 = tpu.memref_squeeze %get3A_499 : memref<1x64x256xf32, #tpu.memory_space<vmem>> -> memref<64x256xf32, #tpu.memory_space<vmem>>
        %get3A_501 = arith.index_cast %scan3A_238 : i32 to index
        %get3A_502 = arith.constant 176 : index
        %get3A_503 = tpu.vector_load %get3A_500[%get3A_501, %get3A_502] {strides = array<i32>} : memref<64x256xf32, #tpu.memory_space<vmem>>, vector<1x16xf32>,
        %get3A_504 = vector.shape_cast %get3A_503 : vector<1x16xf32> to vector<16xf32>
        %get3A_505 = arith.constant 0 : i32
        %get3A_506 = arith.constant 0 : i32
        %get3A_507 = tpu.memref_slice %arg7[%scan3A_224, %get3A_505, %get3A_506] : memref<2x64x256xf32, #tpu.memory_space<vmem>> -> memref<1x64x256xf32, #tpu.memory_space<vmem>>
        %get3A_508 = tpu.memref_squeeze %get3A_507 : memref<1x64x256xf32, #tpu.memory_space<vmem>> -> memref<64x256xf32, #tpu.memory_space<vmem>>
        %get3A_509 = arith.index_cast %scan3A_238 : i32 to index
        %get3A_510 = arith.constant 176 : index
        %get3A_511 = tpu.vector_load %get3A_508[%get3A_509, %get3A_510] {strides = array<i32>} : memref<64x256xf32, #tpu.memory_space<vmem>>, vector<1x16xf32>,
        %get3A_512 = vector.shape_cast %get3A_511 : vector<1x16xf32> to vector<16xf32>
        %add3A_513 = arith.constant 1.000000e+02 : f32
        %add3A_514 = vector.broadcast %add3A_513 : f32 to vector<16xf32>
        %add3A_515 = arith.addf %add3A_514, %get3A_512 : vector<16xf32>
        %sub3A_516 = arith.subf %get3A_504, %get3A_512 : vector<16xf32>
        %select_n3A_517 = arith.select %eq3A_245, %add3A_515, %sub3A_516 : vector<16xf32>
        %mul3A_518 = arith.mulf %select_n3A_517, %select_n3A_517 : vector<16xf32>
        %add3A_519 = arith.addf %add3A_496, %mul3A_518 : vector<16xf32>
        %get3A_520 = arith.constant 0 : i32
        %get3A_521 = arith.constant 0 : i32
        %get3A_522 = tpu.memref_slice %arg6[%scan3A_223, %get3A_520, %get3A_521] : memref<2x64x256xf32, #tpu.memory_space<vmem>> -> memref<1x64x256xf32, #tpu.memory_space<vmem>>
        %get3A_523 = tpu.memref_squeeze %get3A_522 : memref<1x64x256xf32, #tpu.memory_space<vmem>> -> memref<64x256xf32, #tpu.memory_space<vmem>>
        %get3A_524 = arith.index_cast %scan3A_238 : i32 to index
        %get3A_525 = arith.constant 192 : index
        %get3A_526 = tpu.vector_load %get3A_523[%get3A_524, %get3A_525] {strides = array<i32>} : memref<64x256xf32, #tpu.memory_space<vmem>>, vector<1x16xf32>,
        %get3A_527 = vector.shape_cast %get3A_526 : vector<1x16xf32> to vector<16xf32>
        %get3A_528 = arith.constant 0 : i32
        %get3A_529 = arith.constant 0 : i32
        %get3A_530 = tpu.memref_slice %arg7[%scan3A_224, %get3A_528, %get3A_529] : memref<2x64x256xf32, #tpu.memory_space<vmem>> -> memref<1x64x256xf32, #tpu.memory_space<vmem>>
        %get3A_531 = tpu.memref_squeeze %get3A_530 : memref<1x64x256xf32, #tpu.memory_space<vmem>> -> memref<64x256xf32, #tpu.memory_space<vmem>>
        %get3A_532 = arith.index_cast %scan3A_238 : i32 to index
        %get3A_533 = arith.constant 192 : index
        %get3A_534 = tpu.vector_load %get3A_531[%get3A_532, %get3A_533] {strides = array<i32>} : memref<64x256xf32, #tpu.memory_space<vmem>>, vector<1x16xf32>,
        %get3A_535 = vector.shape_cast %get3A_534 : vector<1x16xf32> to vector<16xf32>
        %add3A_536 = arith.constant 1.000000e+02 : f32
        %add3A_537 = vector.broadcast %add3A_536 : f32 to vector<16xf32>
        %add3A_538 = arith.addf %add3A_537, %get3A_535 : vector<16xf32>
        %sub3A_539 = arith.subf %get3A_527, %get3A_535 : vector<16xf32>
        %select_n3A_540 = arith.select %eq3A_245, %add3A_538, %sub3A_539 : vector<16xf32>
        %mul3A_541 = arith.mulf %select_n3A_540, %select_n3A_540 : vector<16xf32>
        %add3A_542 = arith.addf %add3A_519, %mul3A_541 : vector<16xf32>
        %get3A_543 = arith.constant 0 : i32
        %get3A_544 = arith.constant 0 : i32
        %get3A_545 = tpu.memref_slice %arg6[%scan3A_223, %get3A_543, %get3A_544] : memref<2x64x256xf32, #tpu.memory_space<vmem>> -> memref<1x64x256xf32, #tpu.memory_space<vmem>>
        %get3A_546 = tpu.memref_squeeze %get3A_545 : memref<1x64x256xf32, #tpu.memory_space<vmem>> -> memref<64x256xf32, #tpu.memory_space<vmem>>
        %get3A_547 = arith.index_cast %scan3A_238 : i32 to index
        %get3A_548 = arith.constant 208 : index
        %get3A_549 = tpu.vector_load %get3A_546[%get3A_547, %get3A_548] {strides = array<i32>} : memref<64x256xf32, #tpu.memory_space<vmem>>, vector<1x16xf32>,
        %get3A_550 = vector.shape_cast %get3A_549 : vector<1x16xf32> to vector<16xf32>
        %get3A_551 = arith.constant 0 : i32
        %get3A_552 = arith.constant 0 : i32
        %get3A_553 = tpu.memref_slice %arg7[%scan3A_224, %get3A_551, %get3A_552] : memref<2x64x256xf32, #tpu.memory_space<vmem>> -> memref<1x64x256xf32, #tpu.memory_space<vmem>>
        %get3A_554 = tpu.memref_squeeze %get3A_553 : memref<1x64x256xf32, #tpu.memory_space<vmem>> -> memref<64x256xf32, #tpu.memory_space<vmem>>
        %get3A_555 = arith.index_cast %scan3A_238 : i32 to index
        %get3A_556 = arith.constant 208 : index
        %get3A_557 = tpu.vector_load %get3A_554[%get3A_555, %get3A_556] {strides = array<i32>} : memref<64x256xf32, #tpu.memory_space<vmem>>, vector<1x16xf32>,
        %get3A_558 = vector.shape_cast %get3A_557 : vector<1x16xf32> to vector<16xf32>
        %add3A_559 = arith.constant 1.000000e+02 : f32
        %add3A_560 = vector.broadcast %add3A_559 : f32 to vector<16xf32>
        %add3A_561 = arith.addf %add3A_560, %get3A_558 : vector<16xf32>
        %sub3A_562 = arith.subf %get3A_550, %get3A_558 : vector<16xf32>
        %select_n3A_563 = arith.select %eq3A_245, %add3A_561, %sub3A_562 : vector<16xf32>
        %mul3A_564 = arith.mulf %select_n3A_563, %select_n3A_563 : vector<16xf32>
        %add3A_565 = arith.addf %add3A_542, %mul3A_564 : vector<16xf32>
        %get3A_566 = arith.constant 0 : i32
        %get3A_567 = arith.constant 0 : i32
        %get3A_568 = tpu.memref_slice %arg6[%scan3A_223, %get3A_566, %get3A_567] : memref<2x64x256xf32, #tpu.memory_space<vmem>> -> memref<1x64x256xf32, #tpu.memory_space<vmem>>
        %get3A_569 = tpu.memref_squeeze %get3A_568 : memref<1x64x256xf32, #tpu.memory_space<vmem>> -> memref<64x256xf32, #tpu.memory_space<vmem>>
        %get3A_570 = arith.index_cast %scan3A_238 : i32 to index
        %get3A_571 = arith.constant 224 : index
        %get3A_572 = tpu.vector_load %get3A_569[%get3A_570, %get3A_571] {strides = array<i32>} : memref<64x256xf32, #tpu.memory_space<vmem>>, vector<1x16xf32>,
        %get3A_573 = vector.shape_cast %get3A_572 : vector<1x16xf32> to vector<16xf32>
        %get3A_574 = arith.constant 0 : i32
        %get3A_575 = arith.constant 0 : i32
        %get3A_576 = tpu.memref_slice %arg7[%scan3A_224, %get3A_574, %get3A_575] : memref<2x64x256xf32, #tpu.memory_space<vmem>> -> memref<1x64x256xf32, #tpu.memory_space<vmem>>
        %get3A_577 = tpu.memref_squeeze %get3A_576 : memref<1x64x256xf32, #tpu.memory_space<vmem>> -> memref<64x256xf32, #tpu.memory_space<vmem>>
        %get3A_578 = arith.index_cast %scan3A_238 : i32 to index
        %get3A_579 = arith.constant 224 : index
        %get3A_580 = tpu.vector_load %get3A_577[%get3A_578, %get3A_579] {strides = array<i32>} : memref<64x256xf32, #tpu.memory_space<vmem>>, vector<1x16xf32>,
        %get3A_581 = vector.shape_cast %get3A_580 : vector<1x16xf32> to vector<16xf32>
        %add3A_582 = arith.constant 1.000000e+02 : f32
        %add3A_583 = vector.broadcast %add3A_582 : f32 to vector<16xf32>
        %add3A_584 = arith.addf %add3A_583, %get3A_581 : vector<16xf32>
        %sub3A_585 = arith.subf %get3A_573, %get3A_581 : vector<16xf32>
        %select_n3A_586 = arith.select %eq3A_245, %add3A_584, %sub3A_585 : vector<16xf32>
        %mul3A_587 = arith.mulf %select_n3A_586, %select_n3A_586 : vector<16xf32>
        %add3A_588 = arith.addf %add3A_565, %mul3A_587 : vector<16xf32>
        %get3A_589 = arith.constant 0 : i32
        %get3A_590 = arith.constant 0 : i32
        %get3A_591 = tpu.memref_slice %arg6[%scan3A_223, %get3A_589, %get3A_590] : memref<2x64x256xf32, #tpu.memory_space<vmem>> -> memref<1x64x256xf32, #tpu.memory_space<vmem>>
        %get3A_592 = tpu.memref_squeeze %get3A_591 : memref<1x64x256xf32, #tpu.memory_space<vmem>> -> memref<64x256xf32, #tpu.memory_space<vmem>>
        %get3A_593 = arith.index_cast %scan3A_238 : i32 to index
        %get3A_594 = arith.constant 240 : index
        %get3A_595 = tpu.vector_load %get3A_592[%get3A_593, %get3A_594] {strides = array<i32>} : memref<64x256xf32, #tpu.memory_space<vmem>>, vector<1x16xf32>,
        %get3A_596 = vector.shape_cast %get3A_595 : vector<1x16xf32> to vector<16xf32>
        %get3A_597 = arith.constant 0 : i32
        %get3A_598 = arith.constant 0 : i32
        %get3A_599 = tpu.memref_slice %arg7[%scan3A_224, %get3A_597, %get3A_598] : memref<2x64x256xf32, #tpu.memory_space<vmem>> -> memref<1x64x256xf32, #tpu.memory_space<vmem>>
        %get3A_600 = tpu.memref_squeeze %get3A_599 : memref<1x64x256xf32, #tpu.memory_space<vmem>> -> memref<64x256xf32, #tpu.memory_space<vmem>>
        %get3A_601 = arith.index_cast %scan3A_238 : i32 to index
        %get3A_602 = arith.constant 240 : index
        %get3A_603 = tpu.vector_load %get3A_600[%get3A_601, %get3A_602] {strides = array<i32>} : memref<64x256xf32, #tpu.memory_space<vmem>>, vector<1x16xf32>,
        %get3A_604 = vector.shape_cast %get3A_603 : vector<1x16xf32> to vector<16xf32>
        %add3A_605 = arith.constant 1.000000e+02 : f32
        %add3A_606 = vector.broadcast %add3A_605 : f32 to vector<16xf32>
        %add3A_607 = arith.addf %add3A_606, %get3A_604 : vector<16xf32>
        %sub3A_608 = arith.subf %get3A_596, %get3A_604 : vector<16xf32>
        %select_n3A_609 = arith.select %eq3A_245, %add3A_607, %sub3A_608 : vector<16xf32>
        %mul3A_610 = arith.mulf %select_n3A_609, %select_n3A_609 : vector<16xf32>
        %add3A_611 = arith.addf %add3A_588, %mul3A_610 : vector<16xf32>
        scf.yield %add3A_611 : vector<16xf32>
      }
      %scan3A_230 = arith.constant 64 : i32
      %add3A_231 = arith.constant 3 : i32
      %add3A_232 = arith.addi %mul3A_108, %add3A_231 : i32
      %lt3A_233 = arith.constant 64 : i32
      %lt3A_234 = arith.cmpi slt, %add3A_232, %lt3A_233 : i32
      %convert_element_type3A_235 = arith.extui %lt3A_234 : i1 to i32
      %cond3A_236 = arith.constant 0 : i32
      %cond3A_237 = arith.cmpi ne, %convert_element_type3A_235, %cond3A_236 : i32
      scf.if %cond3A_237 {
        %add3A_238 = arith.constant 3 : i32
        %add3A_239 = arith.addi %mul3A_108, %add3A_238 : i32
        %add3A_240 = arith.constant 0 : i32
        %add3A_241 = arith.addi %add3A_240, %add3A_239 : i32
        %dma_start3A_242 = arith.constant 1 : i32
        %dma_start3A_243 = arith.constant 0 : i32
        %dma_start3A_244 = arith.constant 0 : i32
        %dma_start3A_245 = tpu.memref_slice %arg6[%dma_start3A_242, %dma_start3A_243, %dma_start3A_244] : memref<2x64x256xf32, #tpu.memory_space<vmem>> -> memref<1x64x256xf32, #tpu.memory_space<vmem>>
        %dma_start3A_246 = tpu.memref_squeeze %dma_start3A_245 : memref<1x64x256xf32, #tpu.memory_space<vmem>> -> memref<64x256xf32, #tpu.memory_space<vmem>>
        %dma_start3A_247 = arith.constant 0 : i32
        %dma_start3A_248 = tpu.memref_slice %arg2[%add3A_241, %mul3A_2, %dma_start3A_247] : memref<64x2048x278xf32, #tpu.memory_space<hbm>> -> memref<1x64x256xf32, #tpu.memory_space<hbm>>
        %dma_start3A_249 = tpu.memref_squeeze %dma_start3A_248 : memref<1x64x256xf32, #tpu.memory_space<hbm>> -> memref<64x256xf32, #tpu.memory_space<hbm>>
        %dma_start3A_250 = arith.constant 0 : i32
        %dma_start3A_251 = arith.constant 0 : i32
        %dma_start3A_252 = tpu.memref_slice %arg6[%dma_start3A_242, %dma_start3A_250, %dma_start3A_251] : memref<2x64x256xf32, #tpu.memory_space<vmem>> -> memref<1x64x256xf32, #tpu.memory_space<vmem>>
        %dma_start3A_253 = tpu.memref_squeeze %dma_start3A_252 : memref<1x64x256xf32, #tpu.memory_space<vmem>> -> memref<64x256xf32, #tpu.memory_space<vmem>>
        %dma_start3A_254 = arith.constant 0 : i32
        %dma_start3A_255 = tpu.memref_slice %arg2[%add3A_241, %mul3A_2, %dma_start3A_254] : memref<64x2048x278xf32, #tpu.memory_space<hbm>> -> memref<1x64x256xf32, #tpu.memory_space<hbm>>
        %dma_start3A_256 = tpu.memref_squeeze %dma_start3A_255 : memref<1x64x256xf32, #tpu.memory_space<hbm>> -> memref<64x256xf32, #tpu.memory_space<hbm>>
        tpu.enqueue_dma source(%dma_start3A_256 : memref<64x256xf32, #tpu.memory_space<hbm>>) target(%dma_start3A_253 : memref<64x256xf32, #tpu.memory_space<vmem>>) target_semaphore(%arg11 : memref<!tpu.dma_semaphore, #tpu.memory_space<semaphore_mem>>)
        %add3A_257 = arith.constant 0 : i32
        %add3A_258 = arith.addi %add3A_257, %add3A_239 : i32
        %dma_start3A_259 = arith.constant 1 : i32
        %dma_start3A_260 = arith.constant 0 : i32
        %dma_start3A_261 = arith.constant 0 : i32
        %dma_start3A_262 = tpu.memref_slice %arg7[%dma_start3A_259, %dma_start3A_260, %dma_start3A_261] : memref<2x64x256xf32, #tpu.memory_space<vmem>> -> memref<1x64x256xf32, #tpu.memory_space<vmem>>
        %dma_start3A_263 = tpu.memref_squeeze %dma_start3A_262 : memref<1x64x256xf32, #tpu.memory_space<vmem>> -> memref<64x256xf32, #tpu.memory_space<vmem>>
        %dma_start3A_264 = arith.constant 0 : i32
        %dma_start3A_265 = tpu.memref_slice %arg3[%add3A_258, %mul3A_2, %dma_start3A_264] : memref<64x2048x278xf32, #tpu.memory_space<hbm>> -> memref<1x64x256xf32, #tpu.memory_space<hbm>>
        %dma_start3A_266 = tpu.memref_squeeze %dma_start3A_265 : memref<1x64x256xf32, #tpu.memory_space<hbm>> -> memref<64x256xf32, #tpu.memory_space<hbm>>
        %dma_start3A_267 = arith.constant 0 : i32
        %dma_start3A_268 = arith.constant 0 : i32
        %dma_start3A_269 = tpu.memref_slice %arg7[%dma_start3A_259, %dma_start3A_267, %dma_start3A_268] : memref<2x64x256xf32, #tpu.memory_space<vmem>> -> memref<1x64x256xf32, #tpu.memory_space<vmem>>
        %dma_start3A_270 = tpu.memref_squeeze %dma_start3A_269 : memref<1x64x256xf32, #tpu.memory_space<vmem>> -> memref<64x256xf32, #tpu.memory_space<vmem>>
        %dma_start3A_271 = arith.constant 0 : i32
        %dma_start3A_272 = tpu.memref_slice %arg3[%add3A_258, %mul3A_2, %dma_start3A_271] : memref<64x2048x278xf32, #tpu.memory_space<hbm>> -> memref<1x64x256xf32, #tpu.memory_space<hbm>>
        %dma_start3A_273 = tpu.memref_squeeze %dma_start3A_272 : memref<1x64x256xf32, #tpu.memory_space<hbm>> -> memref<64x256xf32, #tpu.memory_space<hbm>>
        tpu.enqueue_dma source(%dma_start3A_273 : memref<64x256xf32, #tpu.memory_space<hbm>>) target(%dma_start3A_270 : memref<64x256xf32, #tpu.memory_space<vmem>>) target_semaphore(%arg13 : memref<!tpu.dma_semaphore, #tpu.memory_space<semaphore_mem>>)
        %add3A_274 = arith.constant 0 : i32
        %add3A_275 = arith.addi %add3A_274, %add3A_239 : i32
        %dma_start3A_276 = arith.constant 1 : i32
        %dma_start3A_277 = arith.constant 0 : i32
        %dma_start3A_278 = tpu.memref_slice %arg8[%dma_start3A_276, %dma_start3A_277] : memref<2x128xf32, #tpu.memory_space<vmem>> -> memref<1x128xf32, #tpu.memory_space<vmem>>
        %dma_start3A_279 = tpu.memref_squeeze %dma_start3A_278 : memref<1x128xf32, #tpu.memory_space<vmem>> -> memref<128xf32, #tpu.memory_space<vmem>>
        %dma_start3A_280 = arith.constant 0 : i32
        %dma_start3A_281 = tpu.memref_slice %arg4[%add3A_275, %add3A, %dma_start3A_280] : memref<64x32x128xf32, #tpu.memory_space<hbm>> -> memref<1x1x128xf32, #tpu.memory_space<hbm>>
        %dma_start3A_282 = tpu.memref_squeeze %dma_start3A_281 : memref<1x1x128xf32, #tpu.memory_space<hbm>> -> memref<128xf32, #tpu.memory_space<hbm>>
        %dma_start3A_283 = arith.constant 0 : i32
        %dma_start3A_284 = tpu.memref_slice %arg8[%dma_start3A_276, %dma_start3A_283] : memref<2x128xf32, #tpu.memory_space<vmem>> -> memref<1x128xf32, #tpu.memory_space<vmem>>
        %dma_start3A_285 = tpu.memref_squeeze %dma_start3A_284 : memref<1x128xf32, #tpu.memory_space<vmem>> -> memref<128xf32, #tpu.memory_space<vmem>>
        %dma_start3A_286 = arith.constant 0 : i32
        %dma_start3A_287 = tpu.memref_slice %arg4[%add3A_275, %add3A, %dma_start3A_286] : memref<64x32x128xf32, #tpu.memory_space<hbm>> -> memref<1x1x128xf32, #tpu.memory_space<hbm>>
        %dma_start3A_288 = tpu.memref_squeeze %dma_start3A_287 : memref<1x1x128xf32, #tpu.memory_space<hbm>> -> memref<128xf32, #tpu.memory_space<hbm>>
        tpu.enqueue_dma source(%dma_start3A_288 : memref<128xf32, #tpu.memory_space<hbm>>) target(%dma_start3A_285 : memref<128xf32, #tpu.memory_space<vmem>>) target_semaphore(%arg15 : memref<!tpu.dma_semaphore, #tpu.memory_space<semaphore_mem>>)
      } else {
      }
      scf.yield %scan3A_229 : vector<16xf32>
    }
    %scan3A_101 = arith.constant 32 : i32
    %swap3A = arith.constant 0 : index
    %swap3A_102 = tpu.vector_load %arg9[%swap3A] {strides = array<i32>} : memref<16xf32, #tpu.memory_space<vmem>>, vector<16xf32>,
    %swap3A_103 = vector.shape_cast %swap3A_102 : vector<16xf32> to vector<16xf32>
    %swap3A_104 = vector.shape_cast %scan3A_100 : vector<16xf32> to vector<16xf32>
    tpu.vector_store %arg9[%swap3A], %swap3A_104 {strides = array<i32>} : memref<16xf32, #tpu.memory_space<vmem>>, vector<16xf32>,
    "tpu.region"() ({
      %run_scoped3A = tpu.sem_alloc : memref<!tpu.dma_semaphore, #tpu.memory_space<semaphore_mem>>
      %dma_start3A_105 = arith.constant 0 : i32
      %dma_start3A_106 = tpu.memref_slice %arg5[%add3A, %dma_start3A_105] : memref<32x16xf32, #tpu.memory_space<hbm>> -> memref<1x16xf32, #tpu.memory_space<hbm>>
      %dma_start3A_107 = tpu.memref_squeeze %dma_start3A_106 : memref<1x16xf32, #tpu.memory_space<hbm>> -> memref<16xf32, #tpu.memory_space<hbm>>
      %dma_start3A_108 = arith.constant 0 : i32
      %dma_start3A_109 = tpu.memref_slice %arg5[%add3A, %dma_start3A_108] : memref<32x16xf32, #tpu.memory_space<hbm>> -> memref<1x16xf32, #tpu.memory_space<hbm>>
      %dma_start3A_110 = tpu.memref_squeeze %dma_start3A_109 : memref<1x16xf32, #tpu.memory_space<hbm>> -> memref<16xf32, #tpu.memory_space<hbm>>
      tpu.enqueue_dma source(%arg9 : memref<16xf32, #tpu.memory_space<vmem>>) target(%dma_start3A_110 : memref<16xf32, #tpu.memory_space<hbm>>) target_semaphore(%run_scoped3A : memref<!tpu.dma_semaphore, #tpu.memory_space<semaphore_mem>>)
      %dma_wait3A = arith.constant 0 : i32
      %dma_wait3A_111 = tpu.memref_slice %arg5[%add3A, %dma_wait3A] : memref<32x16xf32, #tpu.memory_space<hbm>> -> memref<1x16xf32, #tpu.memory_space<hbm>>
      %dma_wait3A_112 = tpu.memref_squeeze %dma_wait3A_111 : memref<1x16xf32, #tpu.memory_space<hbm>> -> memref<16xf32, #tpu.memory_space<hbm>>
      %dma_wait3A_113 = arith.constant 0 : i32
      %dma_wait3A_114 = tpu.memref_slice %arg5[%add3A, %dma_wait3A_113] : memref<32x16xf32, #tpu.memory_space<hbm>> -> memref<1x16xf32, #tpu.memory_space<hbm>>
      %dma_wait3A_115 = tpu.memref_squeeze %dma_wait3A_114 : memref<1x16xf32, #tpu.memory_space<hbm>> -> memref<16xf32, #tpu.memory_space<hbm>>
      tpu.wait_dma2 semaphore(%run_scoped3A : memref<!tpu.dma_semaphore, #tpu.memory_space<semaphore_mem>>) src(%arg9 : memref<16xf32, #tpu.memory_space<vmem>>) dst(%dma_wait3A_115 : memref<16xf32, #tpu.memory_space<hbm>>)
      tpu.yield
    }) : () -> ()
    return
  }
}

module attributes {stable_mosaic.version = 14 : i64} {
  func.func @_corr_body(%arg0: i32, %arg1: memref<4x2048x128xf32, #tpu.memory_space<vmem>>, %arg2: memref<4x2048x128xf32, #tpu.memory_space<vmem>>, %arg3: memref<10x12xf32, #tpu.memory_space<vmem>>, %arg4: memref<3xf32, #tpu.memory_space<smem>>) attributes {dimension_semantics = [#tpu.dimension_semantics<arbitrary>], iteration_bounds = array<i64: 16>, scalar_prefetch = 0 : i64, scratch_operands = 0 : i64, tpu.core_type = #tpu.core_type<tc>, window_params = [{transform_indices = @transform_0, window_bounds = array<i64: 4, 2048, 128>}, {transform_indices = @transform_1, window_bounds = array<i64: 4, 2048, 128>}, {pipeline_mode = #tpu.pipeline_mode<synchronous>, transform_indices = @transform_2, window_bounds = array<i64: 10, 12>}, {transform_indices = @transform_3, window_bounds = array<i64: 3>}]} {
    %get3A = arith.constant 0 : index
    %get3A_0 = arith.constant 0 : index
    %get3A_1 = arith.constant 0 : index
    %get3A_2 = vector.load %arg1[%get3A, %get3A_0, %get3A_1] : memref<4x2048x128xf32, #tpu.memory_space<vmem>>, vector<4x2048x128xf32>
    %reshape3A = vector.shape_cast %get3A_2 : vector<4x2048x128xf32> to vector<8192x128xf32>
    %get3A_3 = arith.constant 0 : index
    %get3A_4 = arith.constant 0 : index
    %get3A_5 = arith.constant 0 : index
    %get3A_6 = vector.load %arg2[%get3A_3, %get3A_4, %get3A_5] : memref<4x2048x128xf32, #tpu.memory_space<vmem>>, vector<4x2048x128xf32>
    %reshape3A_7 = vector.shape_cast %get3A_6 : vector<4x2048x128xf32> to vector<8192x128xf32>
    %slice3A = vector.extract_strided_slice %reshape3A_7 {offsets = [0, 0], sizes = [8192, 1], strides = [1, 1]} : vector<8192x128xf32> to vector<8192x1xf32>
    %eq3A = arith.constant -1.000000e+00 : f32
    %eq3A_8 = vector.broadcast %eq3A : f32 to vector<8192x1xf32>
    %eq3A_9 = arith.cmpf oeq, %slice3A, %eq3A_8 : vector<8192x1xf32>
    %jit3A = arith.constant 0.000000e+00 : f32
    %jit3A_10 = arith.constant 1.000000e+00 : f32
    %broadcast_in_dim3A = vector.broadcast %jit3A : f32 to vector<8192x1xf32>
    %broadcast_in_dim3A_11 = vector.broadcast %jit3A_10 : f32 to vector<8192x1xf32>
    %select_n3A = arith.select %eq3A_9, %broadcast_in_dim3A, %broadcast_in_dim3A_11 : vector<8192x1xi1>, vector<8192x1xf32>
    %squeeze3A = vector.shape_cast %select_n3A : vector<8192x1xf32> to vector<8192xf32>
    %slice3A_12 = vector.extract_strided_slice %reshape3A {offsets = [0, 0], sizes = [8192, 10], strides = [1, 1]} : vector<8192x128xf32> to vector<8192x10xf32>
    %slice3A_13 = vector.extract_strided_slice %reshape3A_7 {offsets = [0, 0], sizes = [8192, 10], strides = [1, 1]} : vector<8192x128xf32> to vector<8192x10xf32>
    %reduce_max3A = arith.constant dense<0xFF800000> : vector<8192xf32>
    %reduce_max3A_14 = vector.multi_reduction <maximumf>, %slice3A_12, %reduce_max3A [1] : vector<8192x10xf32> to vector<8192xf32>
    %broadcast_in_dim3A_15 = vector.shape_cast %reduce_max3A_14 : vector<8192xf32> to vector<8192x1xf32>
    %squeeze3A_16 = vector.shape_cast %broadcast_in_dim3A_15 : vector<8192x1xf32> to vector<8192xf32>
    %sub3A = vector.broadcast %broadcast_in_dim3A_15 : vector<8192x1xf32> to vector<8192x10xf32>
    %sub3A_17 = arith.subf %slice3A_12, %sub3A : vector<8192x10xf32>
    %exp3A = math.exp %sub3A_17 : vector<8192x10xf32>
    %reduce_sum3A = arith.constant dense<0.000000e+00> : vector<8192xf32>
    %reduce_sum3A_18 = vector.multi_reduction <add>, %exp3A, %reduce_sum3A [1] : vector<8192x10xf32> to vector<8192xf32>
    %log3A = math.log %reduce_sum3A_18 : vector<8192xf32>
    %add3A = arith.addf %squeeze3A_16, %log3A : vector<8192xf32>
    %mul3A = arith.mulf %slice3A_12, %slice3A_13 : vector<8192x10xf32>
    %reduce_sum3A_19 = arith.constant dense<0.000000e+00> : vector<8192xf32>
    %reduce_sum3A_20 = vector.multi_reduction <add>, %mul3A, %reduce_sum3A_19 [1] : vector<8192x10xf32> to vector<8192xf32>
    %sub3A_21 = arith.subf %add3A, %reduce_sum3A_20 : vector<8192xf32>
    %mul3A_22 = arith.mulf %sub3A_21, %squeeze3A : vector<8192xf32>
    %reduce_sum3A_23 = vector.shape_cast %mul3A_22 : vector<8192xf32> to vector<1x8192xf32>
    %reduce_sum3A_24 = arith.constant dense<0.000000e+00> : vector<1xf32>
    %reduce_sum3A_25 = vector.multi_reduction <add>, %reduce_sum3A_23, %reduce_sum3A_24 [1] : vector<1x8192xf32> to vector<1xf32>
    %reduce_sum3A_26 = vector.shape_cast %reduce_sum3A_25 : vector<1xf32> to vector<1x1xf32>
    %reduce_sum3A_27 = vector.extract %reduce_sum3A_26[0, 0] : f32 from vector<1x1xf32>
    %reduce_sum3A_28 = vector.shape_cast %squeeze3A : vector<8192xf32> to vector<1x8192xf32>
    %reduce_sum3A_29 = arith.constant dense<0.000000e+00> : vector<1xf32>
    %reduce_sum3A_30 = vector.multi_reduction <add>, %reduce_sum3A_28, %reduce_sum3A_29 [1] : vector<1x8192xf32> to vector<1xf32>
    %reduce_sum3A_31 = vector.shape_cast %reduce_sum3A_30 : vector<1xf32> to vector<1x1xf32>
    %reduce_sum3A_32 = vector.extract %reduce_sum3A_31[0, 0] : f32 from vector<1x1xf32>
    %slice3A_33 = vector.extract_strided_slice %reshape3A {offsets = [0, 10], sizes = [8192, 12], strides = [1, 1]} : vector<8192x128xf32> to vector<8192x12xf32>
    %slice3A_34 = vector.extract_strided_slice %reshape3A_7 {offsets = [0, 10], sizes = [8192, 12], strides = [1, 1]} : vector<8192x128xf32> to vector<8192x12xf32>
    %get3A_35 = arith.constant 0 : index
    %get3A_36 = arith.constant 0 : index
    %get3A_37 = vector.load %arg3[%get3A_35, %get3A_36] : memref<10x12xf32, #tpu.memory_space<vmem>>, vector<10x12xf32>
    %dot_general3A = arith.constant dense<0.000000e+00> : vector<8192x12xf32>
    %dot_general3A_38 = tpu.matmul %slice3A_13, %get3A_37, %dot_general3A {dimension_numbers = #tpu.dot_dimension_numbers<[1], [0], [0], [1], [0, 0, 1, 1], [], []>, transpose_lhs_hint = false} : vector<8192x10xf32>, vector<10x12xf32>, vector<8192x12xf32> -> vector<8192x12xf32>
    %gt3A = arith.constant 5.000000e-01 : f32
    %gt3A_39 = vector.broadcast %gt3A : f32 to vector<8192x12xf32>
    %gt3A_40 = arith.cmpf ogt, %dot_general3A_38, %gt3A_39 : vector<8192x12xf32>
    %sub3A_41 = arith.constant -1.000000e+02 : f32
    %sub3A_42 = vector.broadcast %sub3A_41 : f32 to vector<8192x12xf32>
    %sub3A_43 = arith.subf %sub3A_42, %slice3A_34 : vector<8192x12xf32>
    %sub3A_44 = arith.subf %slice3A_33, %slice3A_34 : vector<8192x12xf32>
    %jit3A_45 = arith.constant 0.000000e+00 : f32
    %broadcast_in_dim3A_46 = vector.broadcast %jit3A_45 : f32 to vector<8192x12xf32>
    %select_n3A_47 = arith.select %gt3A_40, %broadcast_in_dim3A_46, %sub3A_44 : vector<8192x12xi1>, vector<8192x12xf32>
    %broadcast_in_dim3A_48 = vector.shape_cast %eq3A_9 : vector<8192x1xi1> to vector<8192x1xi1>
    %broadcast_in_dim3A_49 = vector.broadcast %broadcast_in_dim3A_48 : vector<8192x1xi1> to vector<8192x12xi1>
    %select_n3A_50 = arith.select %broadcast_in_dim3A_49, %sub3A_43, %select_n3A_47 : vector<8192x12xi1>, vector<8192x12xf32>
    %mul3A_51 = arith.mulf %select_n3A_50, %select_n3A_50 : vector<8192x12xf32>
    %reduce_sum3A_52 = vector.shape_cast %mul3A_51 : vector<8192x12xf32> to vector<1x8192x12xf32>
    %reduce_sum3A_53 = arith.constant dense<0.000000e+00> : vector<1xf32>
    %reduce_sum3A_54 = vector.multi_reduction <add>, %reduce_sum3A_52, %reduce_sum3A_53 [1, 2] : vector<1x8192x12xf32> to vector<1xf32>
    %reduce_sum3A_55 = vector.shape_cast %reduce_sum3A_54 : vector<1xf32> to vector<1x1x1xf32>
    %reduce_sum3A_56 = vector.extract %reduce_sum3A_55[0, 0, 0] : f32 from vector<1x1x1xf32>
    %eq3A_57 = arith.constant 0 : i32
    %eq3A_58 = arith.cmpi eq, %arg0, %eq3A_57 : i32
    %convert_element_type3A = arith.extui %eq3A_58 : i1 to i32
    %cond3A = arith.constant 0 : i32
    %cond3A_59 = arith.cmpi ne, %convert_element_type3A, %cond3A : i32
    scf.if %cond3A_59 {
      %swap3A_74 = arith.constant 0.000000e+00 : f32
      %swap3A_75 = arith.constant 0 : index
      %swap3A_76 = memref.load %arg4[%swap3A_75] : memref<3xf32, #tpu.memory_space<smem>>
      memref.store %swap3A_74, %arg4[%swap3A_75] : memref<3xf32, #tpu.memory_space<smem>>
      %swap3A_77 = arith.constant 0.000000e+00 : f32
      %swap3A_78 = arith.constant 1 : index
      %swap3A_79 = memref.load %arg4[%swap3A_78] : memref<3xf32, #tpu.memory_space<smem>>
      memref.store %swap3A_77, %arg4[%swap3A_78] : memref<3xf32, #tpu.memory_space<smem>>
      %swap3A_80 = arith.constant 0.000000e+00 : f32
      %swap3A_81 = arith.constant 2 : index
      %swap3A_82 = memref.load %arg4[%swap3A_81] : memref<3xf32, #tpu.memory_space<smem>>
      memref.store %swap3A_80, %arg4[%swap3A_81] : memref<3xf32, #tpu.memory_space<smem>>
    } else {
    }
    %get3A_60 = arith.constant 0 : index
    %get3A_61 = memref.load %arg4[%get3A_60] : memref<3xf32, #tpu.memory_space<smem>>
    %add3A_62 = arith.addf %get3A_61, %reduce_sum3A_27 : f32
    %swap3A = arith.constant 0 : index
    %swap3A_63 = memref.load %arg4[%swap3A] : memref<3xf32, #tpu.memory_space<smem>>
    memref.store %add3A_62, %arg4[%swap3A] : memref<3xf32, #tpu.memory_space<smem>>
    %get3A_64 = arith.constant 1 : index
    %get3A_65 = memref.load %arg4[%get3A_64] : memref<3xf32, #tpu.memory_space<smem>>
    %add3A_66 = arith.addf %get3A_65, %reduce_sum3A_32 : f32
    %swap3A_67 = arith.constant 1 : index
    %swap3A_68 = memref.load %arg4[%swap3A_67] : memref<3xf32, #tpu.memory_space<smem>>
    memref.store %add3A_66, %arg4[%swap3A_67] : memref<3xf32, #tpu.memory_space<smem>>
    %get3A_69 = arith.constant 2 : index
    %get3A_70 = memref.load %arg4[%get3A_69] : memref<3xf32, #tpu.memory_space<smem>>
    %add3A_71 = arith.addf %get3A_70, %reduce_sum3A_56 : f32
    %swap3A_72 = arith.constant 2 : index
    %swap3A_73 = memref.load %arg4[%swap3A_72] : memref<3xf32, #tpu.memory_space<smem>>
    memref.store %add3A_71, %arg4[%swap3A_72] : memref<3xf32, #tpu.memory_space<smem>>
    return
  }
  func.func @transform_0(%arg0: i32) -> (i32, i32, i32) {
    %add3A = arith.constant 0 : i32
    %add3A_0 = arith.addi %add3A, %arg0 : i32
    %c0_i32 = arith.constant 0 : i32
    %c2_i32 = arith.constant 2 : i32
    %c0_i32_1 = arith.constant 0 : i32
    return %add3A_0, %c0_i32, %c2_i32 : i32, i32, i32
  }
  func.func @transform_1(%arg0: i32) -> (i32, i32, i32) {
    %add3A = arith.constant 0 : i32
    %add3A_0 = arith.addi %add3A, %arg0 : i32
    %c0_i32 = arith.constant 0 : i32
    %c2_i32 = arith.constant 2 : i32
    %c0_i32_1 = arith.constant 0 : i32
    return %add3A_0, %c0_i32, %c2_i32 : i32, i32, i32
  }
  func.func @transform_2(%arg0: i32) -> (i32, i32) {
    %c0_i32 = arith.constant 0 : i32
    %c0_i32_0 = arith.constant 0 : i32
    %c0_i32_1 = arith.constant 0 : i32
    return %c0_i32, %c0_i32_0 : i32, i32
  }
  func.func @transform_3(%arg0: i32) -> i32 {
    %c0_i32 = arith.constant 0 : i32
    %c0_i32_0 = arith.constant 0 : i32
    return %c0_i32 : i32
  }
}

</mosaic_0001>

<sc_bundles>
// kernel: kernel.4.cloned.1.call-start
scs
__scs_entry_jumppad:
0x0: {  	(pc) =	sbr.rel $0x88, $3  }
0x1: {  	(tag) =	ssettag $0x0;
	lr =	simm.s32 $0x1  }
0x2: {  	[smem:$0x3F9E] =	sst lr;
	_ =	strace $0xD0000000  }
0x3: {  	_ = 	snop  }
0x4: {  	_ = 	snop  }
0x5: {  	_ = 	snop  }
0x6: {  	_ = 	snop  }
0x7: {  	_ = 	snop  }
__scs_overlays_trampoline_lowered:
0x8: {  	[smem:$0x3FAD] =	sst s0  }
0x9: {  	[smem:$0x3FAE] =	sst s1  }
0xa: {  	[smem:$0x3FAF] =	sst s2  }
0xb: {  	[smem:$0x3FB0] =	sst s3  }
0xc: {  	[smem:$0x3FB1] =	sst s4  }
0xd: {  	[smem:$0x3FB2] =	sst s5  }
0xe: {  	[smem:$0x3FB3] =	sst s6  }
0xf: {  	[smem:$0x3FB4] =	sst s7  }
0x10: {  	[smem:$0x3FB5] =	sst s8  }
0x11: {  	[smem:$0x3FB6] =	sst s9;
	s0 =	simm.s32 @!p0 $0x0  }
0x12: {  	s1 =	sld [smem:$0x3F9C];
	s0 =	simm.s32 @p0 $0x1  }
0x13: {  	[smem:$0x3FB7] =	sst s0;
	s0 =	simm.s32 @!p1 $0x0  }
0x14: {  	s2 =	sld [smem:$0x3F9B];
	s0 =	simm.s32 @p1 $0x1  }
0x15: {  	[smem:$0x3FB8] =	sst s0;
	s0 =	simm.s32 @!p2 $0x0  }
0x16: {  	s3 =	sld [smem:$0x3FDB];
	s0 =	simm.s32 @p2 $0x1  }
0x17: {  	s4 =	simm.s32 $0x1BF5;
	[smem:$0x3FBA] =	sst s0  }
0x18: {  	s0 =	sld [smem:$0x3F9D];
	_ =	swait.ge [sflag:s4], $0x0  }
0x19: {  	s7 =	sld [smem:$0x3F9E]  }
0x1a: {  	s8 =	sadd.s32 $0xFFFFE003, lr  }
0x1b: {  	s9 =	sadd.s32 $0xFFFFFEF7, lr;
	s5 =	simm.s32 $0xFFFFFFFF;
	p2 =	slt.u32 s8, $0xFFFFF086  }
0x1c: {  	p1 =	slt.u32 s9, $0xF7A;
	s5 =	simm.s32 @!p2 $0x0  }
0x1d: {  	s5 =	simm.s32 @p1 $0x1;
	p0 =	seq.s32 s7, s2  }
0x1e: {  	s7 =	smul.u32 @!p0 $0xF7A, s2;
	p2 =	seq.s32 @!p0 s5, $0x0  }
0x1f: {  	s9 =	smul.u32 $0xF7A, s1;
	s8 =	simm.s32 @!p0 $0x1BF5;
	p2 =	por !p2, p0  }
0x20: {  	[sflag:s8] =	ssyncset.s32 @!p0 $0xFFFFF086;
	s6 =	sadd.s32 @!p0 s3, s7;
	s7 =	simm.s32 @!p0 $0x108  }
0x21: {  	s3 =	sadd.s32 s3, s9;
	s6 =	sadd.s32 @!p0 $0x88, s6;
	s7 =	simm.s32 @p2 $0x1082  }
0x22: {  	[simem:s7], [sflag:s8] =	dma.local @!p0 [hbm:s6], $0xF7A  }
0x23: {  	s9 =	sor.u32 $0xD0000000, s2;
	s6 =	simm.s32 $0x108;
	_ =	swait.ge @!p0 [sflag:s8], $0x0  }
0x24: {  	s3 =	sadd.s32 $0x88, s3;
	s6 =	simm.s32 @!p1 $0x1082;
	[sflag:s4] =	ssyncset.s32 $0xFFFFF086  }
0x25: {  	[simem:s6], [sflag:s4] =	dma.local [hbm:s3], $0xF7A  }
0x26: {  	[smem:$0x3F9E] =	sst s1;
	(tag) =	ssettag s2;
	_ =	strace s9  }
0x27: {  	s1 =	sld [smem:$0x3FAE]  }
0x28: {  	s2 =	sld [smem:$0x3FAF]  }
0x29: {  	s4 =	sld [smem:$0x3FB1]  }
0x2a: {  	p0 =	seq.s32 s5, $0x0;
	s5 =	sld [smem:$0x3FB2]  }
0x2b: {  	s6 =	sld [smem:$0x3FB3]  }
0x2c: {  	s7 =	sld [smem:$0x3FB4]  }
0x2d: {  	s3 =	simm.s32 $0x108;
	s8 =	sld [smem:$0x3FB5]  }
0x2e: {  	s3 =	simm.s32 @!p0 $0x1082;
	s9 =	sld [smem:$0x3FB6]  }
0x2f: {  	lr =	sadd.s32 s0, s3;
	s0 =	sld [smem:$0x3FAD]  }
0x30: {  	s3 =	sld [smem:$0x3FB0]  }
0x31: {  	[smem:$0x3FB9] =	sst s10  }
0x32: {  	s10 =	sld [smem:$0x3FB7];
	_ =	sdelay $0x3  }
0x33: {  	p0 =	seq.s32 s10, $0x1;
	s10 =	sld [smem:$0x3FB9];
	_ =	sdelay $0x3  }
0x34: {  	[smem:$0x3FB9] =	sst s10  }
0x35: {  	s10 =	sld [smem:$0x3FB8];
	_ =	sdelay $0x3  }
0x36: {  	p1 =	seq.s32 s10, $0x1;
	s10 =	sld [smem:$0x3FB9];
	_ =	sdelay $0x3  }
0x37: {  	[smem:$0x3FB9] =	sst s10  }
0x38: {  	s10 =	sld [smem:$0x3FBA]  }
0x39: {  	_ = 	snop;
	(pc) =	sbr.ind lr, $3  }
0x3a: {  	_ = 	snop  }
0x3b: {  	_ = 	snop  }
0x3c: {  	p2 =	seq.s32 s10, $0x1;
	s10 =	sld [smem:$0x3FB9]  }
0x3d: {  	_ =	shalt  }
0x3e: {  	_ =	shalt  }
0x3f: {  	_ =	shalt  }
0x40: {  	_ =	shalt  }
0x41: {  	_ =	shalt  }
0x42: {  	_ =	shalt  }
0x43: {  	_ =	shalt  }
0x44: {  	_ =	shalt  }
0x45: {  	_ =	shalt  }
0x46: {  	_ =	shalt  }
0x47: {  	_ =	shalt  }
0x48: {  	_ =	shalt  }
0x49: {  	_ =	shalt  }
0x4a: {  	_ =	shalt  }
0x4b: {  	_ =	shalt  }
0x4c: {  	_ =	shalt  }
0x4d: {  	_ =	shalt  }
0x4e: {  	_ =	shalt  }
0x4f: {  	_ =	shalt  }
0x50: {  	_ =	shalt  }
0x51: {  	_ =	shalt  }
0x52: {  	_ =	shalt  }
0x53: {  	_ =	shalt  }
0x54: {  	_ =	shalt  }
0x55: {  	_ =	shalt  }
0x56: {  	_ =	shalt  }
0x57: {  	_ =	shalt  }
0x58: {  	_ =	shalt  }
0x59: {  	_ =	shalt  }
0x5a: {  	_ =	shalt  }
0x5b: {  	_ =	shalt  }
0x5c: {  	_ =	shalt  }
0x5d: {  	_ =	shalt  }
0x5e: {  	_ =	shalt  }
0x5f: {  	_ =	shalt  }
0x60: {  	_ =	shalt  }
0x61: {  	_ =	shalt  }
0x62: {  	_ =	shalt  }
0x63: {  	_ =	shalt  }
0x64: {  	_ =	shalt  }
0x65: {  	_ =	shalt  }
0x66: {  	_ =	shalt  }
0x67: {  	_ =	shalt  }
0x68: {  	_ =	shalt  }
0x69: {  	_ =	shalt  }
0x6a: {  	_ =	shalt  }
0x6b: {  	_ =	shalt  }
0x6c: {  	_ =	shalt  }
0x6d: {  	_ =	shalt  }
0x6e: {  	_ =	shalt  }
0x6f: {  	_ =	shalt  }
0x70: {  	_ =	shalt  }
0x71: {  	_ =	shalt  }
0x72: {  	_ =	shalt  }
0x73: {  	_ =	shalt  }
0x74: {  	_ =	shalt  }
0x75: {  	_ =	shalt  }
0x76: {  	_ =	shalt  }
0x77: {  	_ =	shalt  }
0x78: {  	_ =	shalt  }
0x79: {  	_ =	shalt  }
0x7a: {  	_ =	shalt  }
0x7b: {  	_ =	shalt  }
0x7c: {  	_ =	shalt  }
0x7d: {  	_ =	shalt  }
0x7e: {  	_ =	shalt  }
0x7f: {  	_ =	shalt  }
0x80: {  	_ =	shalt  }
0x81: {  	_ =	shalt  }
0x82: {  	_ =	shalt  }
0x83: {  	_ =	shalt  }
0x84: {  	_ =	shalt  }
0x85: {  	_ =	shalt  }
0x86: {  	_ =	shalt  }
0x87: {  	_ =	shalt  }
.Lfunc_end0:
.L_simem_size_0:
called_computation_lowered:
.L_overlay_start_0:
0x88: {  	s2 =	sld [smem:$0x3FD9]  }
0x89: {  	s3 =	sld [smem:$0x3FFE];
	_ =	sdelay $0x1  }
0x8a: {  	s1 =	srdreg.scid  }
0x8b: {  	s0 =	sand.u32 $0x1, s1  }
0x8c: {  	s16 =	sshll.u32 s0, $0xA;
	s2 =	sadd.s32 s3, s2  }
0x8d: {  	s2 =	sadd.s32 s2, s16  }
0x8e: {  	[smem:$0x3FC5] =	sst s2  }
0x8f: {  	_ = 	snop  }
0x90: {  	(tm) =	ssettm $0x1  }
0x91: {  	s17 =	sld [smem:$0x3FFB];
	_ =	sdelay $0x3  }
0x92: {  	_ =	strace s17  }
0x93: {  	s2 =	sld [smem:$0x3FFC];
	_ =	sdelay $0x3  }
0x94: {  	_ =	strace s2  }
0x95: {  	s2 =	sld [smem:$0x3FFD];
	_ =	sdelay $0x3  }
0x96: {  	_ =	strace s2  }
0x97: {  	_ =	strace $0x8FFFFFFF  }
0x98: {  	s18 =	sld [smem:$0x3FDB];
	_ =	sdelay $0x1  }
0x99: {  	s19 =	simm.s32 $_scs_section_size  }
0x9a: {  	s4 =	simm.s32 $_size__tile_overlayer_lowered;
	s5 =	simm.s32 $_tile_overlayer_lowered  }
0x9b: {  	s22 =	simm.s32 $0x1BFF;
	s21 =	sshll.u32 s5, $0x1;
	s2 =	sadd.s32 s19, s18  }
0x9c: {  	s6 =	simm.s32 $0x0;
	s20 =	sshll.u32 s4, $0x1;
	s4 =	sadd.s32 s21, s2  }
0x9d: {  	[timem:s6], [sflag:s22] =	dma.local [hbm:s4], s20  }
0x9e: {  	_ =	swait.ge [sflag:s22], s20  }
0x9f: {  	s3 =	ssub.s32 $0x0, s20;
	[sflag:s22] =	ssyncset.done $0x0  }
0xa0: {  	[sflag:s22] =	ssyncadd.s32 s3;
	_ =	sdelay $0x1  }
0xa1: {  	s23 =	simm.s32 $0x1B8B  }
0xa2: {  	_ =	swait.ge [sflag:s23], $0x1  }
0xa3: {  	[sflag:s23] =	ssyncset.done $0x0  }
0xa4: {  	s25 =	simm.s32 $0x1B8E;
	s24 =	sld [smem:$0x3FFE];
	[sflag:s23] =	ssyncadd.s32 $0xFFFFFFFF  }
0xa5: {  	s26 =	simm.s32 $execute0_lowered;
	[smem:$0x3FD2] =	sst s25  }
0xa6: {  	s4 =	sshll.u32 s26, $0x1;
	_ =	strace $0x80000046;
	[dreg:$0x1] =	wrdreg $0xFFFFFFFF  }
0xa7: {  	s28 =	simm.s32 $_size_execute0_lowered;
	s2 =	sadd.s32 s2, s4;
	[dreg:$0x0] =	wrdreg $0x0  }
0xa8: {  	s4 =	sshll.u32 s28, $0x1;
	[dreg:$0x2] =	wrdreg s2  }
0xa9: {  	[dreg:$0x3] =	wrdreg s4  }
0xaa: {  	[dreg:$0x4] =	wrdreg $0xC0  }
0xab: {  	_ =	task [dreg:s6], $0x5FFFF  }
0xac: {  	[dreg:$0x1] =	wrdreg $0xFFFFFFFF  }
0xad: {  	[dreg:$0x0] =	wrdreg $0x60  }
0xae: {  	[dreg:$0x2] =	wrdreg s24  }
0xaf: {  	[dreg:$0x3] =	wrdreg $0x9  }
0xb0: {  	_ =	task.clear_ibuf [dreg:s6], $0x4FFFF;
	_ =	strace $0x90000046  }
0xb1: {  	s29 =	simm.s32 $0x9;
	_ =	strace $0x80000048  }
0xb2: {  	_ =	swait.ge [sflag:s29], $0x1  }
0xb3: {  	[sflag:s29] =	ssyncadd.s32 $0xFFFFFFFF  }
0xb4: {  	_ =	strace $0x90000048  }
0xb5: {  	_ =	sfence  }
0xb6: {  	s30 =	sld [smem:$0x0];
	_ =	sdelay $0x2  }
0xb7: {  	s31 =	sshll.u32 s1, $0xD;
	s1 =	sshrl.u32 s1, $0x2  }
0xb8: {  	s3 =	sand.u32 $0x4000, s31;
	s1 =	sadd.s32 s1, s30  }
0xb9: {  	s0 =	sor.u32 s3, s0;
	s1 =	sshll.u32 s1, $0x11  }
0xba: {  	s0 =	sor.u32 s1, s0  }
0xbb: {  	s0 =	sadd.s32 $0x8F2B, s0  }
0xbc: {  	[sflag:s0] =	ssyncadd.remote.s32 $0x1  }
0xbd: {  	_ =	sfence.sel $0xFFFF  }
0xbe: {  	[dreg:$0x0] =	wrdreg $0xFFFFFFFF;
	(pc) =	sbr.abs _section_cstart, $3  }
0xbf: {  	[dreg:$0x1] =	wrdreg $0xFFFFFFFF  }
0xc0: {  	_ =	task.clear_ibuf [dreg:s6], $0x2FFFF;
	_ =	strace $0x9FFFFFFF  }
0xc1: {  	(tm) =	ssettm $0x7FFFFFFF  }
tec
execute0_lowered:
.L_overlay_start_1:
0x0: {  	(tag) =	ssettag $0x1  }
0x1: {  	s0 =	rddreg [dreg:$0x0];
	s2 =	simm.s32 $0x0;
	s1 =	srdreg.scid  }
0x2: {  	s6 =	stileid.u32;
	s16 =	simm.s32 $0x800;
	s17 =	simm.s32 $0xC00  }
0x3: {  	s20 =	simm.s32 $0x4000;
	s21 =	simm.s32 $0xC000;
	s22 =	simm.s32 $0x10080  }
0x4: {  	s23 =	simm.s32 $0x1;
	s28 =	simm.s32 $0x4;
	s29 =	simm.s32 $0x6  }
0x5: {  	s31 =	simm.s32 $0x7;
	[smem:$0x7FF] =	sst s2;
	s1 =	sand.u32 $0x1, s1  }
0x6: {  	s4 =	sshll.u32 s6, $0x1;
	s3 =	sadd.s32 $0x8400, s0;
	s6 =	sshll.u32 s6, $0x8  }
0x7: {  	_ =	strace $0x80000047;
	s5 =	sor.u32 s1, s4;
	s4 =	sadd.s32 $0x608400, s0  }
0x8: {  	s8 =	sand.u32 $0xC00, s6;
	s1 =	ssub.s32 $0x2, s1;
	s7 =	sshll.u32 s5, $0x7  }
0x9: {  	s5 =	smul.u32 $0x6000, s5;
	s9 =	sshrl.u32 s1, $0x1;
	s7 =	sand.u32 $0x380, s7  }
0xa: {  	s6 =	sadd.s32 $0x400, s0;
	s1 =	ssub.s32 s1, s9;
	s7 =	sor.u32 s8, s7  }
0xb: {  	s11 =	sshrl.u32 s5, $0x3;
	s15 =	smax.u32 s1, $0x1;
	s8 =	sshrl.u32 s7, $0x3  }
0xc: {  	s24 =	sadd.s32 s3, s11;
	s25 =	sadd.s32 s4, s11;
	s26 =	sadd.s32 $0x18000, s11  }
.Ltmp0:
0xd: {  	s0 =	sadd.s32 s8, s0;
	[dreg:$0x2] =	wrdreg s24;
	(pc) =	sbr.rel .LBB2_1-.Ltmp0, $4  }
0xe: {  	[dreg:$0x3] =	wrdreg s25;
	s10 =	sadd.s32 s6, s8;
	s30 =	sadd.s32 s3, s26  }
0xf: {  	s8 =	sadd.s32 s4, s26;
	s24 =	simm.s32 $0x3;
	[dreg:$0x4] =	wrdreg s30  }
0x10: {  	s25 =	simm.s32 $0x5;
	s26 =	simm.s32 $0x2;
	[dreg:$0x5] =	wrdreg s8  }
0x11: {  	s13 =	sadd.s32 $0x200, s10;
	s14 =	sadd.s32 $0xC08400, s0;
	s0 =	simm.s32 $0x0  }
.LBB2_8:
0x12: {  	s0 =	sadd.s32 $0x1, s0  }
0x13: {  	p0 =	sne.s32 s0, s15  }
.Ltmp1:
0x14: {  	[tilespmem:$0x10100] =	vst v1;
	s1 =	simm.s32 $0x10100;
	(pc) =	sbr.rel @!p0 .LBB2_9-.Ltmp1, $4  }
0x15: {  	[hbm4b:s14+s2] =	stream.linear.scatter [tilespmem:s1], [sflag:$0x7], $0x80, $0x38;
	[tilespmem:$0x10180] =	vst v63  }
0x16: {  	_ =	swait.ge [sflag:s31], $0x80  }
0x17: {  	[sflag:s31] =	ssyncset.done $0x0  }
0x18: {  	[sflag:s31] =	ssyncadd.s32 $0xFFFFFF80  }
.LBB2_1:
0x19: {  	s1 =	rddreg [dreg:$0x2]  }
0x1a: {  	[tilespmem:s2], [sflag:$0x1] =	stream.strided.gather [hbm4b:s1+s16], $0x4000, s17, s16, $0x38;
	[tilespmem:$0x10180] =	vst v63  }
0x1b: {  	s12 =	rddreg [dreg:$0x3];
	s8 =	simm.s32 $0x8000  }
0x1c: {  	[tilespmem:s8], [sflag:$0x3] =	stream.strided.gather [hbm4b:s12+s16], $0x4000, s17, s16, $0x38;
	[tilespmem:$0x10180] =	vst v63  }
0x1d: {  	s18 =	simm.s32 $0x10000  }
0x1e: {  	[tilespmem:s18], [sflag:$0x5] =	stream.linear.gather [hbm4b:s10+s2], $0x80, $0x38;
	[tilespmem:$0x10180] =	vst v63  }
0x1f: {  	s19 =	rddreg [dreg:$0x4]  }
0x20: {  	[tilespmem:s20], [sflag:$0x2] =	stream.strided.gather [hbm4b:s19+s16], $0x4000, s17, s16, $0x38;
	[tilespmem:$0x10180] =	vst v63  }
0x21: {  	s30 =	rddreg [dreg:$0x5]  }
0x22: {  	[tilespmem:s21], [sflag:$0x4] =	stream.strided.gather [hbm4b:s30+s16], $0x4000, s17, s16, $0x38;
	[tilespmem:$0x10180] =	vst v63  }
0x23: {  	s1 =	simm.s32 $0x0  }
0x24: {  	v1 =	vimm.f32 $0.0e+00;
	[tilespmem:s22], [sflag:$0x6] =	stream.linear.gather [hbm4b:s13+s2], $0x80, $0x38;
	[tilespmem:$0x10180] =	vst v63  }
.LBB2_2:
0x25: {  	_ =	swait.ge [sflag:s23], $0x4000  }
0x26: {  	[sflag:s23] =	ssyncset.done $0x0  }
0x27: {  	[sflag:s23] =	ssyncadd.s32 $0xFFFFC000  }
0x28: {  	_ =	swait.ge [sflag:s24], $0x4000  }
0x29: {  	[sflag:s24] =	ssyncset.done $0x0  }
0x2a: {  	[sflag:s24] =	ssyncadd.s32 $0xFFFFC000  }
0x2b: {  	_ =	swait.ge [sflag:s25], $0x80  }
0x2c: {  	[sflag:s25] =	ssyncset.done $0x0  }
0x2d: {  	s8 =	simm.s32 $0x10000;
	[sflag:s25] =	ssyncadd.s32 $0xFFFFFF80  }
0x2e: {  	v0 =	vld [tilespmem:s8+$0x0];
	_ =	sdelay $0x4  }
0x2f: {  	(v2sf) =	vpush v0, $0x0;
	_ =	sdelay $0x5  }
0x30: {  	s8 =	simm.s32 $0x0  }
0x31: {  	s9 =	sand.u32 $0x3800, s8;
	s11 =	sand.u32 $0x380, s8  }
0x32: {  	s18 =	sor.u32 s11, s9  }
0x33: {  	v2 =	vld [tilespmem:s18+$0x8000]  }
0x34: {  	v3 =	vld [tilespmem:s18+$0x0]  }
0x35: {  	v4 =	vld [tilespmem:s18+$0x8010]  }
0x36: {  	v5 =	vld [tilespmem:s18+$0x10]  }
0x37: {  	v6 =	vld [tilespmem:s18+$0x20]  }
0x38: {  	v7 =	vld [tilespmem:s18+$0x8020]  }
0x39: {  	v9 =	vld [tilespmem:s18+$0x8030];
	s12 =	spop (v2sf)  }
0x3a: {  	v11 =	vld [tilespmem:s18+$0x8050];
	v8 =	vadd.f32 $1.000000000e+02, v2;
	v2 =	vsub.f32 v3, v2;
	p1 =	seq.f32 s12, $1.000000000e+00  }
0x3b: {  	v3 =	vld [tilespmem:s18+$0x30]  }
0x3c: {  	v10 =	vadd.f32 $1.000000000e+02, v4;
	v4 =	vsub.f32 v5, v4;
	v5 =	vld [tilespmem:s18+$0x40];
	v2 =	vpsel p1, v8, v2  }
0x3d: {  	v8 =	vld [tilespmem:s18+$0x8040];
	v2 =	vmul.f32 v2, v2  }
0x3e: {  	v13 =	vld [tilespmem:s18+$0x8060];
	v6 =	vsub.f32 v6, v7;
	v4 =	vpsel p1, v10, v4;
	v10 =	vadd.f32 $1.000000000e+02, v7  }
0x3f: {  	s19 =	simm.s32 $0x10001;
	v7 =	vld [tilespmem:s18+$0x50];
	v1 =	vadd.f32 v2, v1;
	v2 =	vmul.f32 v4, v4  }
0x40: {  	v0 =	vld [tilespmem:s19+$0x0];
	v3 =	vsub.f32 v3, v9;
	v4 =	vpsel p1, v10, v6;
	v6 =	vadd.f32 $1.000000000e+02, v9  }
0x41: {  	v9 =	vld [tilespmem:s18+$0x60];
	v1 =	vadd.f32 v2, v1;
	v2 =	vmul.f32 v4, v4  }
0x42: {  	v10 =	vld [tilespmem:s18+$0x8070];
	v3 =	vpsel p1, v6, v3;
	v6 =	vadd.f32 $1.000000000e+02, v8;
	v5 =	vsub.f32 v5, v8  }
0x43: {  	v4 =	vld [tilespmem:s18+$0x70];
	v1 =	vadd.f32 v2, v1;
	v2 =	vmul.f32 v3, v3  }
0x44: {  	v8 =	vadd.f32 $1.000000000e+02, v11;
	v7 =	vsub.f32 v7, v11;
	v3 =	vpsel p1, v6, v5;
	v5 =	vld [tilespmem:s18+$0x400]  }
0x45: {  	v6 =	vld [tilespmem:s18+$0x8400];
	v11 =	vmul.f32 v3, v3;
	v1 =	vadd.f32 v2, v1  }
0x46: {  	s30 =	simm.s32 $0x200;
	s9 =	simm.s32 $0x100;
	v12 =	vadd.f32 $1.000000000e+02, v13;
	v16 =	vpsel p1, v8, v7;
	v7 =	vld [tilespmem:s18+$0x410];
	v15 =	vsub.f32 v9, v13  }
.LBB2_3:
0x47: {  	p0 =	sne.s32 s30, $0x3F00;
	v1 =	vadd.f32 v11, v1;
	v2 =	vmul.f32 v16, v16;
	v3 =	vld [tilespmem:s18+$0x8410]  }
0x48: {  	v8 =	vpsel p1, v12, v15;
	v9 =	vadd.f32 $1.000000000e+02, v10;
	v4 =	vsub.f32 v4, v10;
	v10 =	vld [tilespmem:s18+$0x420]  }
0x49: {  	v1 =	vadd.f32 v2, v1;
	v2 =	vmul.f32 v8, v8;
	v8 =	vld [tilespmem:s18+$0x8420]  }
0x4a: {  	v4 =	vpsel p1, v9, v4;
	v9 =	vadd.f32 $1.000000000e+02, v6;
	v5 =	vsub.f32 v5, v6;
	v6 =	vld [tilespmem:s18+$0x430]  }
0x4b: {  	(v2sf) =	vpush v0, $0x0;
	v0 =	vadd.f32 v2, v1;
	v1 =	vmul.f32 v4, v4;
	v2 =	vld [tilespmem:s18+$0x8430]  }
0x4c: {  	v4 =	vpsel p1, v9, v5;
	v5 =	vadd.f32 $1.000000000e+02, v3;
	v3 =	vsub.f32 v7, v3;
	v7 =	vld [tilespmem:s18+$0x440]  }
0x4d: {  	v0 =	vadd.f32 v1, v0;
	v1 =	vmul.f32 v4, v4;
	v4 =	vld [tilespmem:s18+$0x8440]  }
0x4e: {  	v3 =	vpsel p1, v5, v3;
	v5 =	vadd.f32 $1.000000000e+02, v8;
	v8 =	vsub.f32 v10, v8;
	v9 =	vld [tilespmem:s18+$0x450]  }
0x4f: {  	v0 =	vadd.f32 v1, v0;
	v1 =	vmul.f32 v3, v3;
	v3 =	vld [tilespmem:s18+$0x8450]  }
0x50: {  	v5 =	vpsel p1, v5, v8;
	v8 =	vadd.f32 $1.000000000e+02, v2;
	v2 =	vsub.f32 v6, v2;
	v6 =	vld [tilespmem:s18+$0x460]  }
0x51: {  	v0 =	vadd.f32 v1, v0;
	v1 =	vmul.f32 v5, v5;
	v5 =	vld [tilespmem:s18+$0x8460]  }
0x52: {  	s8 =	sadd.s32 $0x80, s8;
	v2 =	vpsel p1, v8, v2;
	v8 =	vadd.f32 $1.000000000e+02, v4;
	v4 =	vsub.f32 v7, v4;
	v7 =	vld [tilespmem:s18+$0x470]  }
0x53: {  	s9 =	sand.u32 $0x3800, s9;
	s19 =	sadd.s32 $0x1, s19;
	s11 =	sand.u32 $0x380, s8;
	v1 =	vadd.f32 v1, v0;
	v2 =	vmul.f32 v2, v2;
	v10 =	vld [tilespmem:s18+$0x8470]  }
0x54: {  	s18 =	sor.u32 s11, s9;
	s9 =	smov.u32 s30;
	v0 =	vld [tilespmem:s19+$0x0];
	v4 =	vpsel p1, v8, v4;
	v8 =	vadd.f32 $1.000000000e+02, v3;
	v3 =	vsub.f32 v9, v3  }
0x55: {  	v9 =	vld [tilespmem:s18+$0x8000];
	v1 =	vadd.f32 v2, v1;
	v2 =	vmul.f32 v4, v4  }
0x56: {  	v4 =	vld [tilespmem:s18+$0x0];
	v3 =	vpsel p1, v8, v3;
	v8 =	vadd.f32 $1.000000000e+02, v5;
	v5 =	vsub.f32 v6, v5  }
0x57: {  	v6 =	vld [tilespmem:s18+$0x8010];
	v1 =	vadd.f32 v2, v1;
	v2 =	vmul.f32 v3, v3  }
0x58: {  	v3 =	vld [tilespmem:s18+$0x10];
	v5 =	vpsel p1, v8, v5;
	v8 =	vadd.f32 $1.000000000e+02, v10;
	v7 =	vsub.f32 v7, v10  }
0x59: {  	v10 =	vld [tilespmem:s18+$0x20];
	v1 =	vadd.f32 v2, v1;
	v2 =	vmul.f32 v5, v5  }
0x5a: {  	v5 =	vadd.f32 $1.000000000e+02, v9;
	v11 =	vld [tilespmem:s18+$0x8020];
	s11 =	spop (v2sf);
	v7 =	vpsel p1, v8, v7  }
0x5b: {  	p1 =	seq.f32 s11, $1.000000000e+00;
	v4 =	vsub.f32 v4, v9;
	v8 =	vld [tilespmem:s18+$0x30];
	v1 =	vadd.f32 v2, v1;
	v2 =	vmul.f32 v7, v7  }
0x5c: {  	v7 =	vadd.f32 $1.000000000e+02, v6;
	v9 =	vld [tilespmem:s18+$0x8030]  }
0x5d: {  	v4 =	vpsel p1, v5, v4;
	v3 =	vsub.f32 v3, v6;
	v5 =	vld [tilespmem:s18+$0x40];
	v1 =	vadd.f32 v2, v1  }
0x5e: {  	v2 =	vmul.f32 v4, v4;
	v4 =	vld [tilespmem:s18+$0x8040]  }
0x5f: {  	v3 =	vpsel p1, v7, v3;
	v6 =	vadd.f32 $1.000000000e+02, v11;
	v7 =	vsub.f32 v10, v11;
	v11 =	vld [tilespmem:s18+$0x50]  }
0x60: {  	v1 =	vadd.f32 v2, v1;
	v2 =	vmul.f32 v3, v3;
	v3 =	vld [tilespmem:s18+$0x8050]  }
0x61: {  	v6 =	vpsel p1, v6, v7;
	v7 =	vadd.f32 $1.000000000e+02, v9;
	v8 =	vsub.f32 v8, v9;
	v9 =	vld [tilespmem:s18+$0x60]  }
0x62: {  	v1 =	vadd.f32 v2, v1;
	v2 =	vmul.f32 v6, v6;
	v13 =	vld [tilespmem:s18+$0x8060]  }
.Ltmp2:
0x63: {  	v6 =	vpsel p1, v7, v8;
	v7 =	vadd.f32 $1.000000000e+02, v4;
	v5 =	vsub.f32 v5, v4;
	v4 =	vld [tilespmem:s18+$0x70];
	(pc) =	sbr.rel @p0 .LBB2_3-.Ltmp2, $4  }
0x64: {  	v1 =	vadd.f32 v2, v1;
	v2 =	vmul.f32 v6, v6;
	v10 =	vld [tilespmem:s18+$0x8070]  }
0x65: {  	v6 =	vpsel p1, v7, v5;
	v7 =	vadd.f32 $1.000000000e+02, v3;
	v3 =	vsub.f32 v11, v3;
	v5 =	vld [tilespmem:s18+$0x400]  }
0x66: {  	v1 =	vadd.f32 v2, v1;
	v11 =	vmul.f32 v6, v6;
	v6 =	vld [tilespmem:s18+$0x8400]  }
0x67: {  	s30 =	sadd.s32 $0x100, s30;
	v16 =	vpsel p1, v7, v3;
	v12 =	vadd.f32 $1.000000000e+02, v13;
	v15 =	vsub.f32 v9, v13;
	v7 =	vld [tilespmem:s18+$0x410]  }
0x68: {  	v17 =	vld [tilespmem:s18+$0x8410]  }
0x69: {  	v21 =	vld [tilespmem:s18+$0x420]  }
0x6a: {  	v22 =	vld [tilespmem:s18+$0x8420]  }
0x6b: {  	v23 =	vld [tilespmem:s18+$0x430]  }
0x6c: {  	v24 =	vld [tilespmem:s18+$0x8430]  }
0x6d: {  	v25 =	vld [tilespmem:s18+$0x440]  }
0x6e: {  	v26 =	vld [tilespmem:s18+$0x8440]  }
0x6f: {  	v27 =	vld [tilespmem:s18+$0x450]  }
0x70: {  	v28 =	vld [tilespmem:s18+$0x8450]  }
0x71: {  	v29 =	vld [tilespmem:s18+$0x460]  }
0x72: {  	v30 =	vld [tilespmem:s18+$0x8460];
	s8 =	sadd.s32 $0x80, s8  }
0x73: {  	v31 =	vld [tilespmem:s18+$0x470];
	s9 =	sand.u32 $0x3800, s9;
	s8 =	sand.u32 $0x380, s8  }
0x74: {  	v32 =	vld [tilespmem:s18+$0x8470];
	s8 =	sor.u32 s8, s9  }
0x75: {  	v33 =	vld [tilespmem:s8+$0x8000]  }
0x76: {  	v34 =	vld [tilespmem:s8+$0x0]  }
0x77: {  	v35 =	vld [tilespmem:s8+$0x8010]  }
0x78: {  	v36 =	vld [tilespmem:s8+$0x10]  }
0x79: {  	v37 =	vld [tilespmem:s8+$0x20]  }
0x7a: {  	v38 =	vld [tilespmem:s8+$0x8020]  }
0x7b: {  	v39 =	vld [tilespmem:s8+$0x30]  }
0x7c: {  	v40 =	vld [tilespmem:s8+$0x8030]  }
0x7d: {  	v41 =	vld [tilespmem:s8+$0x40]  }
0x7e: {  	v42 =	vld [tilespmem:s8+$0x8040]  }
0x7f: {  	v20 =	vld [tilespmem:s8+$0x50]  }
0x80: {  	v43 =	vld [tilespmem:s8+$0x8050]  }
0x81: {  	v18 =	vld [tilespmem:s8+$0x60]  }
0x82: {  	v19 =	vld [tilespmem:s8+$0x8060]  }
0x83: {  	v13 =	vld [tilespmem:s8+$0x70]  }
0x84: {  	v14 =	vld [tilespmem:s8+$0x8070]  }
0x85: {  	v8 =	vld [tilespmem:s8+$0x400]  }
0x86: {  	v9 =	vld [tilespmem:s8+$0x8400]  }
0x87: {  	v3 =	vld [tilespmem:s8+$0x410]  }
0x88: {  	v11 =	vadd.f32 v11, v1;
	v16 =	vmul.f32 v16, v16;
	v2 =	vld [tilespmem:s8+$0x8410]  }
0x89: {  	v12 =	vpsel p1, v12, v15;
	v44 =	vadd.f32 $1.000000000e+02, v10;
	v10 =	vsub.f32 v4, v10;
	v1 =	vld [tilespmem:s8+$0x420]  }
0x8a: {  	(v2sf) =	vpush v0, $0x0;
	v11 =	vadd.f32 v16, v11;
	v12 =	vmul.f32 v12, v12;
	v4 =	vld [tilespmem:s8+$0x8420]  }
0x8b: {  	v0 =	vld [tilespmem:s8+$0x430];
	v15 =	vpsel p1, v44, v10;
	v45 =	vadd.f32 $1.000000000e+02, v6;
	v5 =	vsub.f32 v5, v6  }
0x8c: {  	v10 =	vld [tilespmem:s8+$0x8430];
	v11 =	vadd.f32 v12, v11;
	v46 =	vmul.f32 v15, v15  }
0x8d: {  	v6 =	vld [tilespmem:s8+$0x440];
	v5 =	vpsel p1, v45, v5;
	v47 =	vadd.f32 $1.000000000e+02, v17;
	v7 =	vsub.f32 v7, v17  }
0x8e: {  	s18 =	sshll.u32 s1, $0x1;
	p0 =	seq.s32 s1, $0x1F;
	v16 =	vld [tilespmem:s8+$0x8460];
	v11 =	vadd.f32 v46, v11;
	v48 =	vmul.f32 v5, v5  }
0x8f: {  	s9 =	sadd.s32 @!p0 $0x2, s18;
	v15 =	vld [tilespmem:s8+$0x8440];
	v49 =	vadd.f32 $1.000000000e+02, v22;
	v21 =	vsub.f32 v21, v22;
	v7 =	vpsel p1, v47, v7  }
0x90: {  	s11 =	smul.u32 @!p0 $0xC0000, s9;
	v12 =	vld [tilespmem:s8+$0x8450];
	v11 =	vadd.f32 v48, v11;
	v50 =	vmul.f32 v7, v7  }
0x91: {  	v51 =	vadd.f32 $1.000000000e+02, v24;
	v23 =	vsub.f32 v23, v24;
	v17 =	vld [tilespmem:s8+$0x8470];
	v21 =	vpsel p1, v49, v21  }
0x92: {  	s11 =	sadd.s32 @!p0 s5, s11;
	v5 =	vld [tilespmem:s8+$0x450];
	v21 =	vmul.f32 v21, v21;
	v52 =	vadd.f32 v50, v11  }
0x93: {  	s30 =	simm.s32 @!p0 $0xC00;
	v53 =	vadd.f32 $1.000000000e+02, v26;
	v25 =	vsub.f32 v25, v26;
	s11 =	sshrl.u32 @!p0 s11, $0x3;
	v22 =	vpsel p1, v51, v23;
	v7 =	vld [tilespmem:s8+$0x460]  }
0x94: {  	s12 =	simm.s32 @!p0 $0x0;
	s19 =	sadd.s32 @!p0 s3, s11;
	v22 =	vmul.f32 v22, v22;
	v11 =	vld [tilespmem:s8+$0x470];
	s8 =	simm.s32 @!p0 $0x800;
	v21 =	vadd.f32 v21, v52  }
0x95: {  	v54 =	vsub.f32 v27, v28;
	v55 =	vadd.f32 $1.000000000e+02, v28;
	v23 =	vpsel p1, v53, v25;
	[tilespmem:s12], [sflag:$0x1] =	stream.strided.gather @!p0 [hbm4b:s19+s8], $0x4000, s30, s8, $0x38;
	[tilespmem:$0x10180] =	vst v63  }
0x96: {  	s11 =	sadd.s32 @!p0 s4, s11;
	v56 =	vmul.f32 v23, v23;
	s19 =	simm.s32 @!p0 $0x8000;
	v21 =	vadd.f32 v22, v21  }
0x97: {  	v58 =	vsub.f32 v29, v30;
	v59 =	vadd.f32 $1.000000000e+02, v30;
	v57 =	vpsel p1, v55, v54;
	[tilespmem:s19], [sflag:$0x3] =	stream.strided.gather @!p0 [hbm4b:s11+s8], $0x4000, s30, s8, $0x38;
	[tilespmem:$0x10180] =	vst v63  }
0x98: {  	v60 =	vmul.f32 v57, v57;
	s8 =	sshll.u32 @!p0 s9, $0xC;
	v21 =	vadd.f32 v56, v21  }
0x99: {  	v62 =	vsub.f32 v31, v32;
	v63 =	vadd.f32 $1.000000000e+02, v32;
	v61 =	vpsel p1, v59, v58;
	s8 =	sor.u32 @!p0 s7, s8  }
0x9a: {  	v28 =	vmul.f32 v61, v61;
	s19 =	spop (v2sf);
	s8 =	sshrl.u32 @!p0 s8, $0x3;
	v21 =	vadd.f32 v60, v21  }
0x9b: {  	v29 =	vpsel p1, v63, v62;
	v30 =	vsub.f32 v34, v33;
	v31 =	vadd.f32 $1.000000000e+02, v33;
	s9 =	simm.s32 @!p0 $0x10000;
	p2 =	seq.f32 s19, $1.000000000e+00;
	s8 =	sadd.s32 @!p0 s6, s8  }
0x9c: {  	v32 =	vmul.f32 v29, v29;
	[tilespmem:s9], [sflag:$0x5] =	stream.linear.gather @!p0 [hbm4b:s8+s12], $0x80, $0x38;
	v21 =	vadd.f32 v28, v21;
	[tilespmem:$0x10180] =	vst v63  }
0x9d: {  	v34 =	vsub.f32 v36, v35;
	v36 =	vadd.f32 $1.000000000e+02, v35;
	_ =	swait.ge [sflag:s26], $0x4000;
	v33 =	vpsel p2, v31, v30  }
0x9e: {  	[sflag:s26] =	ssyncset.done $0x0;
	v44 =	vmul.f32 v33, v33;
	v21 =	vadd.f32 v32, v21  }
0x9f: {  	v46 =	vsub.f32 v37, v38;
	v47 =	vadd.f32 $1.000000000e+02, v38;
	v45 =	vpsel p2, v36, v34;
	[sflag:s26] =	ssyncadd.s32 $0xFFFFC000  }
0xa0: {  	v48 =	vmul.f32 v45, v45;
	_ =	swait.ge [sflag:s28], $0x4000;
	v21 =	vadd.f32 v44, v21  }
0xa1: {  	v51 =	vadd.f32 $1.000000000e+02, v40;
	v50 =	vsub.f32 v39, v40;
	v49 =	vpsel p2, v47, v46;
	[sflag:s28] =	ssyncset.done $0x0  }
0xa2: {  	v52 =	vmul.f32 v49, v49;
	[sflag:s28] =	ssyncadd.s32 $0xFFFFC000;
	v21 =	vadd.f32 v48, v21  }
0xa3: {  	v54 =	vsub.f32 v41, v42;
	v55 =	vadd.f32 $1.000000000e+02, v42;
	v53 =	vpsel p2, v51, v50;
	_ =	swait.ge [sflag:s29], $0x80  }
0xa4: {  	v56 =	vmul.f32 v53, v53;
	[sflag:s29] =	ssyncset.done $0x0;
	v21 =	vadd.f32 v52, v21  }
0xa5: {  	v58 =	vadd.f32 $1.000000000e+02, v43;
	v20 =	vsub.f32 v20, v43;
	s9 =	simm.s32 $0x10080;
	v57 =	vpsel p2, v55, v54;
	[sflag:s29] =	ssyncadd.s32 $0xFFFFFF80  }
0xa6: {  	v60 =	vmul.f32 v57, v57;
	v59 =	vld [tilespmem:s9+$0x0];
	v21 =	vadd.f32 v56, v21  }
0xa7: {  	v18 =	vsub.f32 v18, v19;
	v19 =	vadd.f32 $1.000000000e+02, v19;
	v20 =	vpsel p2, v58, v20  }
0xa8: {  	v20 =	vmul.f32 v20, v20;
	v21 =	vadd.f32 v60, v21  }
0xa9: {  	v13 =	vsub.f32 v13, v14;
	v14 =	vadd.f32 $1.000000000e+02, v14;
	v18 =	vpsel p2, v19, v18  }
0xaa: {  	v8 =	vsub.f32 v8, v9;
	v18 =	vmul.f32 v18, v18;
	v61 =	vadd.f32 v20, v21  }
0xab: {  	v9 =	vadd.f32 $1.000000000e+02, v9;
	v13 =	vpsel p2, v14, v13;
	(v2sf) =	vpush v59, $0x0  }
0xac: {  	v13 =	vmul.f32 v13, v13;
	v62 =	vadd.f32 v18, v61  }
0xad: {  	v3 =	vsub.f32 v3, v2;
	v2 =	vadd.f32 $1.000000000e+02, v2;
	v8 =	vpsel p2, v9, v8  }
0xae: {  	v8 =	vmul.f32 v8, v8;
	v9 =	vadd.f32 v13, v62  }
0xaf: {  	v1 =	vsub.f32 v1, v4;
	v2 =	vpsel p2, v2, v3;
	v3 =	vadd.f32 $1.000000000e+02, v4  }
0xb0: {  	v2 =	vmul.f32 v2, v2;
	v4 =	vadd.f32 v8, v9  }
0xb1: {  	v0 =	vsub.f32 v0, v10;
	s19 =	simm.s32 $0x0;
	v1 =	vpsel p2, v3, v1;
	v3 =	vadd.f32 $1.000000000e+02, v10  }
0xb2: {  	s11 =	sand.u32 $0x3800, s19;
	s12 =	sand.u32 $0x380, s19;
	v1 =	vmul.f32 v1, v1;
	v2 =	vadd.f32 v2, v4  }
0xb3: {  	s30 =	sor.u32 s12, s11;
	v0 =	vpsel p2, v3, v0;
	v3 =	vsub.f32 v6, v15;
	v4 =	vadd.f32 $1.000000000e+02, v15  }
0xb4: {  	v6 =	vld [tilespmem:s30+$0xC000];
	v1 =	vadd.f32 v1, v2;
	v2 =	vmul.f32 v0, v0  }
0xb5: {  	v5 =	vsub.f32 v5, v12;
	v10 =	vld [tilespmem:s30+$0x4020];
	v3 =	vpsel p2, v4, v3;
	v4 =	vadd.f32 $1.000000000e+02, v12  }
0xb6: {  	v1 =	vadd.f32 v2, v1;
	v2 =	vmul.f32 v3, v3;
	v3 =	vld [tilespmem:s30+$0x4000]  }
0xb7: {  	v7 =	vsub.f32 v7, v16;
	v8 =	vld [tilespmem:s30+$0xC010];
	v4 =	vpsel p2, v4, v5;
	v5 =	vadd.f32 $1.000000000e+02, v16  }
0xb8: {  	v1 =	vadd.f32 v2, v1;
	v2 =	vmul.f32 v4, v4;
	v4 =	vld [tilespmem:s30+$0x4010]  }
0xb9: {  	v63 =	vld [tilespmem:s30+$0xC060];
	v9 =	vsub.f32 v11, v17;
	v5 =	vpsel p2, v5, v7;
	v7 =	vadd.f32 $1.000000000e+02, v17  }
0xba: {  	s12 =	spop (v2sf);
	v1 =	vadd.f32 v2, v1;
	v2 =	vmul.f32 v5, v5;
	v5 =	vld [tilespmem:s30+$0xC020]  }
0xbb: {  	p1 =	seq.f32 s12, $1.000000000e+00;
	v7 =	vpsel p2, v7, v9;
	v9 =	vadd.f32 $1.000000000e+02, v6;
	v3 =	vsub.f32 v3, v6;
	v6 =	vld [tilespmem:s30+$0x4030]  }
0xbc: {  	v1 =	vadd.f32 v2, v1;
	v2 =	vmul.f32 v7, v7;
	v7 =	vld [tilespmem:s30+$0xC030]  }
0xbd: {  	v3 =	vpsel p1, v9, v3;
	v9 =	vadd.f32 $1.000000000e+02, v8;
	v4 =	vsub.f32 v4, v8;
	v8 =	vld [tilespmem:s30+$0x4040]  }
0xbe: {  	v1 =	vadd.f32 v2, v1;
	v2 =	vmul.f32 v3, v3;
	v3 =	vld [tilespmem:s30+$0xC040]  }
0xbf: {  	v11 =	vld [tilespmem:s30+$0xC050];
	v4 =	vpsel p1, v9, v4;
	v9 =	vadd.f32 $1.000000000e+02, v5;
	v5 =	vsub.f32 v10, v5  }
0xc0: {  	s8 =	simm.s32 $0x10081;
	v10 =	vld [tilespmem:s30+$0x4050];
	v1 =	vadd.f32 v2, v1;
	v2 =	vmul.f32 v4, v4  }
0xc1: {  	v0 =	vld [tilespmem:s8+$0x0];
	v4 =	vpsel p1, v9, v5;
	v5 =	vadd.f32 $1.000000000e+02, v7;
	v6 =	vsub.f32 v6, v7  }
0xc2: {  	v9 =	vld [tilespmem:s30+$0x4060];
	v2 =	vadd.f32 v2, v1;
	v4 =	vmul.f32 v4, v4  }
0xc3: {  	v1 =	vld [tilespmem:s30+$0x4070];
	v5 =	vpsel p1, v5, v6;
	v6 =	vadd.f32 $1.000000000e+02, v3;
	v3 =	vsub.f32 v8, v3  }
0xc4: {  	v7 =	vadd.f32 v4, v2;
	v5 =	vmul.f32 v5, v5;
	v4 =	vld [tilespmem:s30+$0xC070]  }
0xc5: {  	v8 =	vadd.f32 $1.000000000e+02, v11;
	v10 =	vsub.f32 v10, v11;
	v2 =	vld [tilespmem:s30+$0x4400];
	v3 =	vpsel p1, v6, v3  }
0xc6: {  	v6 =	vadd.f32 v5, v7;
	v7 =	vmul.f32 v3, v3;
	v5 =	vld [tilespmem:s30+$0xC400]  }
0xc7: {  	s11 =	simm.s32 $0x200;
	s9 =	simm.s32 $0x100;
	v10 =	vpsel p1, v8, v10;
	v8 =	vadd.f32 $1.000000000e+02, v63;
	v9 =	vsub.f32 v9, v63;
	v3 =	vld [tilespmem:s30+$0x4410]  }
.LBB2_5:
0xc8: {  	p2 =	sne.s32 s11, $0x3F00;
	v6 =	vadd.f32 v7, v6;
	v7 =	vmul.f32 v10, v10;
	v10 =	vld [tilespmem:s30+$0xC410]  }
0xc9: {  	v8 =	vpsel p1, v8, v9;
	v9 =	vadd.f32 $1.000000000e+02, v4;
	v1 =	vsub.f32 v1, v4;
	v4 =	vld [tilespmem:s30+$0x4420]  }
0xca: {  	v6 =	vadd.f32 v7, v6;
	v7 =	vmul.f32 v8, v8;
	v8 =	vld [tilespmem:s30+$0xC420]  }
0xcb: {  	v1 =	vpsel p1, v9, v1;
	v9 =	vadd.f32 $1.000000000e+02, v5;
	v2 =	vsub.f32 v2, v5;
	v5 =	vld [tilespmem:s30+$0x4430]  }
0xcc: {  	(v2sf) =	vpush v0, $0x0;
	v0 =	vadd.f32 v7, v6;
	v1 =	vmul.f32 v1, v1;
	v6 =	vld [tilespmem:s30+$0xC430]  }
0xcd: {  	v2 =	vpsel p1, v9, v2;
	v7 =	vadd.f32 $1.000000000e+02, v10;
	v3 =	vsub.f32 v3, v10;
	v9 =	vld [tilespmem:s30+$0x4440]  }
0xce: {  	v0 =	vadd.f32 v1, v0;
	v1 =	vmul.f32 v2, v2;
	v2 =	vld [tilespmem:s30+$0xC440]  }
0xcf: {  	v3 =	vpsel p1, v7, v3;
	v7 =	vadd.f32 $1.000000000e+02, v8;
	v4 =	vsub.f32 v4, v8;
	v8 =	vld [tilespmem:s30+$0x4450]  }
0xd0: {  	v0 =	vadd.f32 v1, v0;
	v1 =	vmul.f32 v3, v3;
	v3 =	vld [tilespmem:s30+$0xC450]  }
0xd1: {  	v4 =	vpsel p1, v7, v4;
	v7 =	vadd.f32 $1.000000000e+02, v6;
	v5 =	vsub.f32 v5, v6;
	v6 =	vld [tilespmem:s30+$0x4460]  }
0xd2: {  	v0 =	vadd.f32 v1, v0;
	v1 =	vmul.f32 v4, v4;
	v4 =	vld [tilespmem:s30+$0xC460]  }
0xd3: {  	s19 =	sadd.s32 $0x80, s19;
	v5 =	vpsel p1, v7, v5;
	v7 =	vadd.f32 $1.000000000e+02, v2;
	v2 =	vsub.f32 v9, v2;
	v9 =	vld [tilespmem:s30+$0x4470]  }
0xd4: {  	s9 =	sand.u32 $0x3800, s9;
	s8 =	sadd.s32 $0x1, s8;
	s12 =	sand.u32 $0x380, s19;
	v1 =	vadd.f32 v1, v0;
	v5 =	vmul.f32 v5, v5;
	v10 =	vld [tilespmem:s30+$0xC470]  }
0xd5: {  	s30 =	sor.u32 s12, s9;
	s9 =	smov.u32 s11;
	v0 =	vld [tilespmem:s8+$0x0];
	v2 =	vpsel p1, v7, v2;
	v7 =	vadd.f32 $1.000000000e+02, v3;
	v3 =	vsub.f32 v8, v3  }
0xd6: {  	v8 =	vld [tilespmem:s30+$0xC000];
	v1 =	vadd.f32 v5, v1;
	v2 =	vmul.f32 v2, v2  }
0xd7: {  	v5 =	vld [tilespmem:s30+$0x4000];
	v3 =	vpsel p1, v7, v3;
	v7 =	vadd.f32 $1.000000000e+02, v4;
	v4 =	vsub.f32 v6, v4  }
0xd8: {  	v6 =	vld [tilespmem:s30+$0xC010];
	v1 =	vadd.f32 v2, v1;
	v2 =	vmul.f32 v3, v3  }
0xd9: {  	v3 =	vld [tilespmem:s30+$0x4010];
	v4 =	vpsel p1, v7, v4;
	v7 =	vadd.f32 $1.000000000e+02, v10;
	v9 =	vsub.f32 v9, v10  }
0xda: {  	v10 =	vld [tilespmem:s30+$0x4020];
	v1 =	vadd.f32 v2, v1;
	v2 =	vmul.f32 v4, v4  }
0xdb: {  	v4 =	vadd.f32 $1.000000000e+02, v8;
	v11 =	vld [tilespmem:s30+$0xC020];
	s12 =	spop (v2sf);
	v7 =	vpsel p1, v7, v9  }
0xdc: {  	p1 =	seq.f32 s12, $1.000000000e+00;
	v5 =	vsub.f32 v5, v8;
	v8 =	vld [tilespmem:s30+$0x4030];
	v1 =	vadd.f32 v2, v1;
	v2 =	vmul.f32 v7, v7  }
0xdd: {  	v7 =	vadd.f32 $1.000000000e+02, v6;
	v9 =	vld [tilespmem:s30+$0xC030]  }
0xde: {  	v4 =	vpsel p1, v4, v5;
	v3 =	vsub.f32 v3, v6;
	v5 =	vld [tilespmem:s30+$0x4040];
	v1 =	vadd.f32 v2, v1  }
0xdf: {  	v2 =	vmul.f32 v4, v4;
	v4 =	vld [tilespmem:s30+$0xC040]  }
0xe0: {  	v3 =	vpsel p1, v7, v3;
	v6 =	vadd.f32 $1.000000000e+02, v11;
	v7 =	vsub.f32 v10, v11;
	v10 =	vld [tilespmem:s30+$0x4050]  }
0xe1: {  	v1 =	vadd.f32 v2, v1;
	v2 =	vmul.f32 v3, v3;
	v3 =	vld [tilespmem:s30+$0xC050]  }
0xe2: {  	v6 =	vpsel p1, v6, v7;
	v7 =	vadd.f32 $1.000000000e+02, v9;
	v8 =	vsub.f32 v8, v9;
	v9 =	vld [tilespmem:s30+$0x4060]  }
0xe3: {  	v2 =	vadd.f32 v2, v1;
	v6 =	vmul.f32 v6, v6;
	v11 =	vld [tilespmem:s30+$0xC060]  }
.Ltmp3:
0xe4: {  	v7 =	vpsel p1, v7, v8;
	v8 =	vadd.f32 $1.000000000e+02, v4;
	v5 =	vsub.f32 v5, v4;
	v1 =	vld [tilespmem:s30+$0x4070];
	(pc) =	sbr.rel @p2 .LBB2_5-.Ltmp3, $4  }
0xe5: {  	v6 =	vadd.f32 v6, v2;
	v7 =	vmul.f32 v7, v7;
	v4 =	vld [tilespmem:s30+$0xC070]  }
0xe6: {  	v5 =	vpsel p1, v8, v5;
	v8 =	vadd.f32 $1.000000000e+02, v3;
	v3 =	vsub.f32 v10, v3;
	v2 =	vld [tilespmem:s30+$0x4400]  }
0xe7: {  	v6 =	vadd.f32 v7, v6;
	v7 =	vmul.f32 v5, v5;
	v5 =	vld [tilespmem:s30+$0xC400]  }
0xe8: {  	s11 =	sadd.s32 $0x100, s11;
	v10 =	vpsel p1, v8, v3;
	v8 =	vadd.f32 $1.000000000e+02, v11;
	v9 =	vsub.f32 v9, v11;
	v3 =	vld [tilespmem:s30+$0x4410]  }
0xe9: {  	v6 =	vadd.f32 v7, v6;
	v56 =	vmul.f32 v10, v10;
	v57 =	vld [tilespmem:s30+$0xC410]  }
0xea: {  	v59 =	vld [tilespmem:s30+$0x4420];
	v8 =	vpsel p1, v8, v9;
	v58 =	vadd.f32 $1.000000000e+02, v4;
	v1 =	vsub.f32 v1, v4  }
0xeb: {  	v61 =	vld [tilespmem:s30+$0xC420];
	(v2sf) =	vpush v0, $0x0;
	v6 =	vadd.f32 v56, v6;
	v60 =	vmul.f32 v8, v8  }
0xec: {  	v62 =	vld [tilespmem:s30+$0x4430];
	v11 =	vadd.f32 $1.000000000e+02, v5;
	v1 =	vpsel p1, v58, v1;
	v2 =	vsub.f32 v2, v5  }
0xed: {  	v63 =	vld [tilespmem:s30+$0xC430];
	v0 =	vadd.f32 v60, v6;
	v1 =	vmul.f32 v1, v1  }
0xee: {  	v13 =	vld [tilespmem:s30+$0x4440];
	v2 =	vpsel p1, v11, v2;
	v12 =	vadd.f32 $1.000000000e+02, v57;
	v3 =	vsub.f32 v3, v57  }
0xef: {  	v0 =	vadd.f32 v1, v0;
	v1 =	vmul.f32 v2, v2;
	v2 =	vld [tilespmem:s30+$0xC440]  }
0xf0: {  	v15 =	vld [tilespmem:s30+$0x4450];
	v14 =	vadd.f32 $1.000000000e+02, v61;
	v4 =	vsub.f32 v59, v61;
	v3 =	vpsel p1, v12, v3  }
0xf1: {  	v0 =	vadd.f32 v1, v0;
	v1 =	vmul.f32 v3, v3;
	v3 =	vld [tilespmem:s30+$0xC450]  }
0xf2: {  	v17 =	vld [tilespmem:s30+$0x4460];
	v16 =	vadd.f32 $1.000000000e+02, v63;
	v5 =	vsub.f32 v62, v63;
	v4 =	vpsel p1, v14, v4  }
0xf3: {  	v18 =	vld [tilespmem:s30+$0xC460];
	s8 =	sadd.s32 $0x80, s19;
	v0 =	vadd.f32 v1, v0;
	v1 =	vmul.f32 v4, v4  }
0xf4: {  	v20 =	vld [tilespmem:s30+$0x4470];
	s9 =	sand.u32 $0x3800, s9;
	s8 =	sand.u32 $0x380, s8;
	v5 =	vpsel p1, v16, v5;
	v19 =	vadd.f32 $1.000000000e+02, v2;
	v2 =	vsub.f32 v13, v2  }
0xf5: {  	v21 =	vld [tilespmem:s30+$0xC470];
	s8 =	sor.u32 s8, s9;
	v0 =	vadd.f32 v1, v0;
	v1 =	vmul.f32 v5, v5  }
0xf6: {  	v23 =	vld [tilespmem:s8+$0xC000];
	v2 =	vpsel p1, v19, v2;
	v22 =	vadd.f32 $1.000000000e+02, v3;
	v3 =	vsub.f32 v15, v3  }
0xf7: {  	v0 =	vadd.f32 v1, v0;
	v1 =	vmul.f32 v2, v2;
	v2 =	vld [tilespmem:s8+$0x4000]  }
0xf8: {  	v25 =	vld [tilespmem:s8+$0xC010];
	v24 =	vadd.f32 $1.000000000e+02, v18;
	v4 =	vsub.f32 v17, v18;
	v3 =	vpsel p1, v22, v3  }
0xf9: {  	v0 =	vadd.f32 v1, v0;
	v1 =	vmul.f32 v3, v3;
	v3 =	vld [tilespmem:s8+$0x4010]  }
0xfa: {  	v27 =	vld [tilespmem:s8+$0x4020];
	v26 =	vadd.f32 $1.000000000e+02, v21;
	v4 =	vpsel p1, v24, v4;
	v5 =	vsub.f32 v20, v21  }
0xfb: {  	v28 =	vld [tilespmem:s8+$0xC020];
	s30 =	spop (v2sf);
	v0 =	vadd.f32 v1, v0;
	v1 =	vmul.f32 v4, v4  }
0xfc: {  	v30 =	vld [tilespmem:s8+$0x4030];
	v29 =	vadd.f32 $1.000000000e+02, v23;
	v5 =	vpsel p1, v26, v5;
	p6 =	seq.f32 s30, $1.000000000e+00;
	v2 =	vsub.f32 v2, v23  }
0xfd: {  	v31 =	vld [tilespmem:s8+$0xC030];
	v0 =	vadd.f32 v1, v0;
	v1 =	vmul.f32 v5, v5  }
0xfe: {  	v33 =	vld [tilespmem:s8+$0x4040];
	v32 =	vadd.f32 $1.000000000e+02, v25;
	v2 =	vpsel p6, v29, v2;
	v3 =	vsub.f32 v3, v25  }
0xff: {  	v0 =	vadd.f32 v1, v0;
	v1 =	vmul.f32 v2, v2;
	v2 =	vld [tilespmem:s8+$0xC040]  }
0x100: {  	v35 =	vld [tilespmem:s8+$0x4050];
	v34 =	vadd.f32 $1.000000000e+02, v28;
	v4 =	vsub.f32 v27, v28;
	v3 =	vpsel p6, v32, v3  }
0x101: {  	v0 =	vadd.f32 v1, v0;
	v1 =	vmul.f32 v3, v3;
	v3 =	vld [tilespmem:s8+$0xC050]  }
0x102: {  	v37 =	vld [tilespmem:s8+$0x4060];
	v36 =	vadd.f32 $1.000000000e+02, v31;
	v4 =	vpsel p6, v34, v4;
	v5 =	vsub.f32 v30, v31  }
0x103: {  	v38 =	vld [tilespmem:s8+$0xC060];
	v0 =	vadd.f32 v1, v0;
	v1 =	vmul.f32 v4, v4  }
0x104: {  	v40 =	vld [tilespmem:s8+$0x4070];
	v5 =	vpsel p6, v36, v5;
	v39 =	vadd.f32 $1.000000000e+02, v2;
	v2 =	vsub.f32 v33, v2  }
0x105: {  	v41 =	vld [tilespmem:s8+$0xC070];
	v0 =	vadd.f32 v1, v0;
	v1 =	vmul.f32 v5, v5  }
0x106: {  	v43 =	vld [tilespmem:s8+$0x4400];
	v2 =	vpsel p6, v39, v2;
	v42 =	vadd.f32 $1.000000000e+02, v3;
	v3 =	vsub.f32 v35, v3  }
0x107: {  	v0 =	vadd.f32 v1, v0;
	v1 =	vmul.f32 v2, v2;
	v2 =	vld [tilespmem:s8+$0xC400]  }
0x108: {  	v45 =	vld [tilespmem:s8+$0x4410];
	v44 =	vadd.f32 $1.000000000e+02, v38;
	v4 =	vsub.f32 v37, v38;
	v3 =	vpsel p6, v42, v3  }
0x109: {  	v0 =	vadd.f32 v1, v0;
	v1 =	vmul.f32 v3, v3;
	v3 =	vld [tilespmem:s8+$0xC410]  }
0x10a: {  	v47 =	vld [tilespmem:s8+$0x4420];
	v46 =	vadd.f32 $1.000000000e+02, v41;
	v4 =	vpsel p6, v44, v4;
	v5 =	vsub.f32 v40, v41  }
0x10b: {  	v48 =	vld [tilespmem:s8+$0xC420];
	v0 =	vadd.f32 v1, v0;
	v1 =	vmul.f32 v4, v4  }
0x10c: {  	v50 =	vld [tilespmem:s8+$0x4430];
	v5 =	vpsel p6, v46, v5;
	v49 =	vadd.f32 $1.000000000e+02, v2;
	v2 =	vsub.f32 v43, v2  }
0x10d: {  	v51 =	vld [tilespmem:s8+$0xC430];
	v0 =	vadd.f32 v1, v0;
	v1 =	vmul.f32 v5, v5  }
0x10e: {  	v53 =	vld [tilespmem:s8+$0x4440];
	v2 =	vpsel p6, v49, v2;
	v52 =	vadd.f32 $1.000000000e+02, v3;
	v3 =	vsub.f32 v45, v3  }
0x10f: {  	v0 =	vadd.f32 v1, v0;
	v1 =	vmul.f32 v2, v2;
	v2 =	vld [tilespmem:s8+$0xC440]  }
0x110: {  	v55 =	vld [tilespmem:s8+$0x4450];
	v54 =	vadd.f32 $1.000000000e+02, v48;
	v4 =	vsub.f32 v47, v48;
	v3 =	vpsel p6, v52, v3  }
0x111: {  	v0 =	vadd.f32 v1, v0;
	v1 =	vmul.f32 v3, v3;
	v3 =	vld [tilespmem:s8+$0xC450]  }
0x112: {  	v58 =	vld [tilespmem:s8+$0xC460];
	v56 =	vadd.f32 $1.000000000e+02, v51;
	v4 =	vpsel p6, v54, v4;
	v5 =	vsub.f32 v50, v51  }
0x113: {  	v57 =	vld [tilespmem:s8+$0x4460];
	v0 =	vadd.f32 v1, v0;
	v1 =	vmul.f32 v4, v4  }
0x114: {  	v60 =	vld [tilespmem:s8+$0x4470];
	v5 =	vpsel p6, v56, v5;
	v59 =	vadd.f32 $1.000000000e+02, v2;
	v2 =	vsub.f32 v53, v2  }
0x115: {  	v61 =	vld [tilespmem:s8+$0xC470];
	v0 =	vadd.f32 v1, v0;
	v1 =	vmul.f32 v5, v5  }
0x116: {  	v2 =	vpsel p6, v59, v2;
	v62 =	vadd.f32 $1.000000000e+02, v3;
	v3 =	vsub.f32 v55, v3  }
0x117: {  	v0 =	vadd.f32 v1, v0;
	v1 =	vmul.f32 v2, v2  }
0x118: {  	v4 =	vsub.f32 v57, v58;
	v2 =	vpsel p6, v62, v3;
	v3 =	vadd.f32 $1.000000000e+02, v58  }
0x119: {  	v0 =	vadd.f32 v1, v0;
	v1 =	vmul.f32 v2, v2  }
0x11a: {  	v63 =	vsub.f32 v60, v61;
	v2 =	vpsel p6, v3, v4;
	v3 =	vadd.f32 $1.000000000e+02, v61  }
.Ltmp4:
0x11b: {  	v0 =	vadd.f32 v1, v0;
	v1 =	vmul.f32 v2, v2;
	(pc) =	sbr.rel @p0 .LBB2_8-.Ltmp4, $3  }
0x11c: {  	v2 =	vpsel p6, v3, v63  }
0x11d: {  	v0 =	vadd.f32 v1, v0;
	v1 =	vmul.f32 v2, v2;
	_ =	sdelay $0x1  }
0x11e: {  	v1 =	vadd.f32 v1, v0  }
0x11f: {  	s8 =	sadd.s32 $0x3, s18  }
0x120: {  	s9 =	smul.u32 $0xC0000, s8;
	_ =	sdelay $0x1  }
0x121: {  	s9 =	sadd.s32 s5, s9  }
0x122: {  	s9 =	sshrl.u32 s9, $0x3  }
0x123: {  	s8 =	sshll.u32 s8, $0xC;
	s11 =	sadd.s32 s3, s9  }
0x124: {  	[tilespmem:s20], [sflag:$0x2] =	stream.strided.gather [hbm4b:s11+s16], $0x4000, s17, s16, $0x38;
	[tilespmem:$0x10180] =	vst v63  }
.Ltmp5:
0x125: {  	s8 =	sor.u32 s7, s8;
	(pc) =	sbr.rel .LBB2_2-.Ltmp5, $4  }
0x126: {  	s8 =	sshrl.u32 s8, $0x3;
	s9 =	sadd.s32 s4, s9  }
0x127: {  	[tilespmem:s21], [sflag:$0x4] =	stream.strided.gather [hbm4b:s9+s16], $0x4000, s17, s16, $0x38;
	[tilespmem:$0x10180] =	vst v63  }
0x128: {  	s1 =	sadd.s32 $0x1, s1;
	s8 =	sadd.s32 s6, s8  }
0x129: {  	[tilespmem:s22], [sflag:$0x6] =	stream.linear.gather [hbm4b:s8+s2], $0x80, $0x38;
	[tilespmem:$0x10180] =	vst v63  }
.LBB2_9:
0x12a: {  	_ =	sfence.sel $0x180000  }
0x12b: {  	[bflag:$0x0] =	sbarrier.arrive $0xFFFF  }
0x12c: {  	_ =	strace $0x90000047  }
0x12d: {  	s0 =	stileid.u32;
	[bflag:$0x2] =	sbarrier.arrive $0xFFFF  }
0x12e: {  	p0 =	sne.s32 s0, $0x0;
	s0 =	rddreg [dreg:$0x1]  }
0x12f: {  	s0 =	sadd.s32 @!p0 $0x100000, s0  }
0x130: {  	[sflag:s0] =	ssyncadd.tile.s32 @!p0 $0x1;
	_ =	shalt  }
.Lfunc_end2:
_tile_overlayer_lowered:
.L_overlay_start_2:
0x131: {  	(tag) =	ssettag $0x2  }
0x132: {  	s0 =	rddreg [dreg:$0x0];
	s2 =	stileid.u32  }
0x133: {  	s1 =	rddreg [dreg:$0x1];
	p0 =	sne.s32 s2, $0x0  }
0x134: {  	s3 =	rddreg [dreg:$0x2];
	[bflag:$0x3] =	sbarrier.arrive $0xFFFF;
	s2 =	simm.s32 @!p0 $0x1C07  }
0x135: {  	[timem:s3], [sflag:s2] =	dma.local @!p0 [hbm:s0], s1  }
0x136: {  	s0 =	simm.s32 @!p0 $0x7  }
0x137: {  	_ =	swait.ge @!p0 [sflag:s0], s1  }
0x138: {  	s1 =	ssub.s32 @!p0 $0x0, s1;
	[sflag:s0] =	ssyncset.done @!p0 $0x0  }
0x139: {  	[sflag:s0] =	ssyncadd.s32 @!p0 s1  }
0x13a: {  	[bflag:$0x3] =	sbarrier.arrive $0xFFFF  }
0x13b: {  	_ =	shalt  }

</sc_bundles>
